<compile_context>
chip_gen: v7x
topology: tpu7x:2x2x1
jax: 0.10.2.dev20260603
libtpu: 0.0.44.dev20260713+nightly
codegen_flags: <defaults>
</compile_context>

<pallas_src>
import functools

import jax
import jax.numpy as jnp
from jax import lax
from jax.experimental import pallas as pl
from jax.experimental.pallas import tpu as pltpu
from jax.experimental.pallas import tpu_sc as plsc

_POOL = 4096
_K = 4
_L = 8
_D = 768
_B = 1024
_BB = 512
_NW = 32
_CH = 8
_NBUF = 2


def _make_topk(nb):
    grid = nb // _BB

    def body(q_ref, k_ref, sim_ref, idx_ref, acc_ref):
        qn = q_ref[...]
        kn = k_ref[...]
        sim = jax.lax.dot_general(
            qn, kn, (((1,), (1,)), ((), ())),
            preferred_element_type=jnp.float32)

        sim_ref[...] = jnp.zeros((_BB, 128), jnp.float32)
        idx_ref[...] = jnp.zeros((_BB, 128), jnp.int32)
        col_ids = jax.lax.broadcasted_iota(jnp.int32, (_BB, _POOL), 1)
        work = sim
        total = jnp.float32(0.0)
        big = jnp.int32(2**30)
        for t in range(_K):
            m = jnp.max(work, axis=1, keepdims=True)
            cand = jnp.where(work == m, col_ids, big)
            sel = jnp.min(cand, axis=1, keepdims=True)
            sim_ref[:, t:t + 1] = m
            idx_ref[:, t:t + 1] = sel
            total = total + jnp.sum(m)
            work = jnp.where(col_ids == sel, -jnp.inf, work)

        @pl.when(pl.program_id(0) == 0)
        def _():
            acc_ref[0, 0] = 0.0

        acc_ref[0, 0] += total

    return pl.pallas_call(
        body,
        grid=(grid,),
        in_specs=[
            pl.BlockSpec((_BB, _D), lambda i: (i, 0)),
            pl.BlockSpec((_POOL, _D), lambda i: (0, 0)),
        ],
        out_specs=[
            pl.BlockSpec((_BB, 128), lambda i: (i, 0)),
            pl.BlockSpec((_BB, 128), lambda i: (i, 0)),
            pl.BlockSpec(memory_space=pltpu.SMEM, block_shape=(1, 1),
                         index_map=lambda i: (0, 0)),
        ],
        out_shape=[
            jax.ShapeDtypeStruct((nb, 128), jnp.float32),
            jax.ShapeDtypeStruct((nb, 128), jnp.int32),
            jax.ShapeDtypeStruct((1, 1), jnp.float32),
        ],
    )


def _make_sc_gather(n_rows):
    bpw = n_rows // _NW
    nchunk = bpw // _CH
    mesh = plsc.VectorSubcoreMesh(core_axis_name="c", subcore_axis_name="s")

    def body(table_hbm, idx_hbm, out_hbm, idx_v, bufs, *sems):
        wid = lax.axis_index("s") * 2 + lax.axis_index("c")
        base = wid * bpw
        pltpu.sync_copy(idx_hbm.at[wid], idx_v)
        gsems = sems[:_NBUF]
        wsems = sems[_NBUF:]

        def gather(c):
            p = c % _NBUF
            return pltpu.async_copy(
                table_hbm.at[idx_v.at[c]], bufs.at[p],
                gsems[p])

        writes = [None] * _NBUF
        gathers = [None] * _NBUF
        gathers[0] = gather(0)
        for c in range(nchunk):
            p = c % _NBUF
            gathers[p].wait()
            if c + 1 < nchunk:
                pn = (c + 1) % _NBUF
                if writes[pn] is not None:
                    writes[pn].wait()
                gathers[pn] = gather(c + 1)
            writes[p] = pltpu.async_copy(
                bufs.at[p], out_hbm.at[pl.ds(base + c * _CH, _CH)], wsems[p])
        for w in writes:
            if w is not None:
                w.wait()

    f = functools.partial(
        pl.kernel,
        mesh=mesh,
        out_type=jax.ShapeDtypeStruct((n_rows, _L, _D), jnp.float32),
        scratch_types=(
            [pltpu.VMEM((nchunk, _CH), jnp.int32),
             pltpu.VMEM((_NBUF, _CH, _L, _D), jnp.float32)]
            + [pltpu.SemaphoreType.DMA] * (2 * _NBUF)),
    )(body)
    return lambda values, flat_idx: f(
        values, flat_idx.reshape(_NW, nchunk, _CH))


def _unit_rows(x):
    n = jnp.linalg.norm(x, axis=-1, keepdims=True)
    return x / jnp.maximum(n, 1e-12)


@jax.jit
def kernel(query, keys, values):
    qn = _unit_rows(query)
    kn = _unit_rows(keys)
    top_sim_p, top_idx_p, acc = _make_topk(_B)(qn, kn)
    flat_idx = top_idx_p[:, :_K].reshape(_B * _K)
    selected = _make_sc_gather(_B * _K)(values, flat_idx)
    reduce_sim = acc[0, 0] / jnp.float32(_B * _K)
    return selected.reshape(_B, _K * _L, _D), reduce_sim

# --- scband reference (transcript-rebuilt; emitter-appended) ---
"""Pipeline reference for scband-prompt-pool-48730698940638 (READ-ONLY COPY).

The authoritative reference and input builder live on the scoring server;
editing this copy changes nothing except your own understanding.
"""

import jax, jax.numpy as jnp
import numpy as np

POOL_SIZE = 4096
TOP_K = 4
PROMPT_LEN = 8
EMBED_DIM = 768
BATCH = 1024


def setup_inputs(seed: int = 0) -> dict:
    key = jax.random.key(seed)
    k1, k2, k3 = jax.random.split(key, 3)
    query = jax.random.normal(k1, (BATCH, EMBED_DIM), dtype=jnp.float32)
    keys = jax.random.truncated_normal(k2, -2.0, 2.0, (POOL_SIZE, EMBED_DIM), dtype=jnp.float32) * 0.02
    values = jax.random.truncated_normal(k3, -2.0, 2.0, (POOL_SIZE, PROMPT_LEN, EMBED_DIM), dtype=jnp.float32) * 0.02
    return {"query": query, "keys": keys, "values": values}


def _normalize(x, axis=-1, eps=1e-12):
    n = jnp.linalg.norm(x, axis=axis, keepdims=True)
    return x / jnp.maximum(n, eps)


def reference(query, keys, values):
    # cosine similarity between normalized query and normalized pool keys
    q = _normalize(query, axis=-1)
    k = _normalize(keys, axis=-1)
    sim = q @ k.T  # (B, M)
    top_k_sim, top_k_idx = jax.lax.top_k(sim, TOP_K)  # (B, K)
    reduce_sim = jnp.mean(top_k_sim)
    B = query.shape[0]
    # gather selected prompt values: values[top_k_idx] -> (B, K, L, D)
    selected = jnp.take(values, top_k_idx, axis=0)
    selected = selected.reshape(B, TOP_K * PROMPT_LEN, EMBED_DIM)
    return (selected, reduce_sim)

if __name__ == "__main__":
    import jax
    _d = setup_inputs()
    print(jax.jit(kernel)(*tuple(_d.values())))

</pallas_src>

<mosaic_0001>
#map = affine_map<(d0, d1) -> (0, 0, 0)>
module attributes {stable_mosaic.version = 14 : i64} {
  func.func @body(%arg0: i32, %arg1: i32, %arg2: memref<4096x8x768xf32, #tpu.memory_space<hbm>>, %arg3: memref<32x16x8xi32, #tpu.memory_space<hbm>>, %arg4: memref<4096x8x768xf32, #tpu.memory_space<hbm>>, %arg5: memref<16x8xi32, #tpu.memory_space<vmem>>, %arg6: memref<2x8x8x768xf32, #tpu.memory_space<vmem>>, %arg7: memref<!tpu.dma_semaphore, #tpu.memory_space<semaphore_mem>>, %arg8: memref<!tpu.dma_semaphore, #tpu.memory_space<semaphore_mem>>, %arg9: memref<!tpu.dma_semaphore, #tpu.memory_space<semaphore_mem>>, %arg10: memref<!tpu.dma_semaphore, #tpu.memory_space<semaphore_mem>>) attributes {dimension_semantics = [#tpu.dimension_semantics<core_parallel>, #tpu.dimension_semantics<subcore_parallel>], iteration_bounds = array<i64: 2, 16>, scalar_prefetch = 0 : i64, scratch_operands = 6 : i64, tpu.core_type = #tpu.core_type<sc_vector_subcore>, window_params = [{transform_indices = #map}, {transform_indices = #map}, {transform_indices = #map}]} {
    %mul3A = arith.constant 2 : i32
    %mul3A_0 = arith.muli %arg1, %mul3A : i32
    %add3A = arith.addi %mul3A_0, %arg0 : i32
    %mul3A_1 = arith.constant 128 : i32
    %mul3A_2 = arith.muli %add3A, %mul3A_1 : i32
    "tpu.region"() ({
      %run_scoped3A = tpu.sem_alloc : memref<!tpu.dma_semaphore, #tpu.memory_space<semaphore_mem>>
      %dma_start3A_1025 = arith.constant 0 : i32
      %dma_start3A_1026 = arith.constant 0 : i32
      %dma_start3A_1027 = tpu.memref_slice %arg3[%add3A, %dma_start3A_1025, %dma_start3A_1026] : memref<32x16x8xi32, #tpu.memory_space<hbm>> -> memref<1x16x8xi32, #tpu.memory_space<hbm>>
      %dma_start3A_1028 = tpu.memref_squeeze %dma_start3A_1027 : memref<1x16x8xi32, #tpu.memory_space<hbm>> -> memref<16x8xi32, #tpu.memory_space<hbm>>
      %dma_start3A_1029 = arith.constant 0 : i32
      %dma_start3A_1030 = arith.constant 0 : i32
      %dma_start3A_1031 = tpu.memref_slice %arg3[%add3A, %dma_start3A_1029, %dma_start3A_1030] : memref<32x16x8xi32, #tpu.memory_space<hbm>> -> memref<1x16x8xi32, #tpu.memory_space<hbm>>
      %dma_start3A_1032 = tpu.memref_squeeze %dma_start3A_1031 : memref<1x16x8xi32, #tpu.memory_space<hbm>> -> memref<16x8xi32, #tpu.memory_space<hbm>>
      tpu.enqueue_dma source(%dma_start3A_1032 : memref<16x8xi32, #tpu.memory_space<hbm>>) target(%arg5 : memref<16x8xi32, #tpu.memory_space<vmem>>) target_semaphore(%run_scoped3A : memref<!tpu.dma_semaphore, #tpu.memory_space<semaphore_mem>>)
      %dma_wait3A_1033 = arith.constant 0 : i32
      %dma_wait3A_1034 = arith.constant 0 : i32
      %dma_wait3A_1035 = tpu.memref_slice %arg3[%add3A, %dma_wait3A_1033, %dma_wait3A_1034] : memref<32x16x8xi32, #tpu.memory_space<hbm>> -> memref<1x16x8xi32, #tpu.memory_space<hbm>>
      %dma_wait3A_1036 = tpu.memref_squeeze %dma_wait3A_1035 : memref<1x16x8xi32, #tpu.memory_space<hbm>> -> memref<16x8xi32, #tpu.memory_space<hbm>>
      %dma_wait3A_1037 = arith.constant 0 : i32
      %dma_wait3A_1038 = arith.constant 0 : i32
      %dma_wait3A_1039 = tpu.memref_slice %arg3[%add3A, %dma_wait3A_1037, %dma_wait3A_1038] : memref<32x16x8xi32, #tpu.memory_space<hbm>> -> memref<1x16x8xi32, #tpu.memory_space<hbm>>
      %dma_wait3A_1040 = tpu.memref_squeeze %dma_wait3A_1039 : memref<1x16x8xi32, #tpu.memory_space<hbm>> -> memref<16x8xi32, #tpu.memory_space<hbm>>
      tpu.wait_dma2 semaphore(%run_scoped3A : memref<!tpu.dma_semaphore, #tpu.memory_space<semaphore_mem>>) src(%dma_wait3A_1040 : memref<16x8xi32, #tpu.memory_space<hbm>>) dst(%arg5 : memref<16x8xi32, #tpu.memory_space<vmem>>)
      tpu.yield
    }) : () -> ()
    %dma_start3A = arith.constant 0 : i32
    %dma_start3A_3 = arith.constant 0 : i32
    %dma_start3A_4 = arith.constant 0 : i32
    %dma_start3A_5 = arith.constant 0 : i32
    %dma_start3A_6 = arith.constant 0 : i32
    %dma_start3A_7 = tpu.memref_slice %arg6[%dma_start3A_3, %dma_start3A_4, %dma_start3A_5, %dma_start3A_6] : memref<2x8x8x768xf32, #tpu.memory_space<vmem>> -> memref<1x8x8x768xf32, #tpu.memory_space<vmem>>
    %dma_start3A_8 = tpu.memref_squeeze %dma_start3A_7 : memref<1x8x8x768xf32, #tpu.memory_space<vmem>> -> memref<8x8x768xf32, #tpu.memory_space<vmem>>
    %dma_start3A_9 = arith.constant 0 : i32
    %dma_start3A_10 = tpu.memref_slice %arg5[%dma_start3A, %dma_start3A_9] : memref<16x8xi32, #tpu.memory_space<vmem>> -> memref<1x8xi32, #tpu.memory_space<vmem>>
    %dma_start3A_11 = tpu.memref_squeeze %dma_start3A_10 : memref<1x8xi32, #tpu.memory_space<vmem>> -> memref<8xi32, #tpu.memory_space<vmem>>
    %dma_start3A_12 = arith.constant 0 : i32
    %dma_start3A_13 = arith.constant 0 : i32
    %dma_start3A_14 = arith.constant 0 : i32
    %dma_start3A_15 = tpu.memref_slice %arg2[%dma_start3A_12, %dma_start3A_13, %dma_start3A_14] : memref<4096x8x768xf32, #tpu.memory_space<hbm>> -> memref<4096x8x768xf32, #tpu.memory_space<hbm>>
    tpu.enqueue_indirect_dma source(%dma_start3A_15 : memref<4096x8x768xf32, #tpu.memory_space<hbm>>) target(%dma_start3A_8 : memref<8x8x768xf32, #tpu.memory_space<vmem>>) offsets(%dma_start3A_11 : memref<8xi32, #tpu.memory_space<vmem>>) semaphore(%arg7 : memref<!tpu.dma_semaphore, #tpu.memory_space<semaphore_mem>>)
    %dma_wait3A = arith.constant 0 : i32
    %dma_wait3A_16 = arith.constant 0 : i32
    %dma_wait3A_17 = arith.constant 0 : i32
    %dma_wait3A_18 = arith.constant 0 : i32
    %dma_wait3A_19 = arith.constant 0 : i32
    %dma_wait3A_20 = tpu.memref_slice %arg6[%dma_wait3A_16, %dma_wait3A_17, %dma_wait3A_18, %dma_wait3A_19] : memref<2x8x8x768xf32, #tpu.memory_space<vmem>> -> memref<1x8x8x768xf32, #tpu.memory_space<vmem>>
    %dma_wait3A_21 = tpu.memref_squeeze %dma_wait3A_20 : memref<1x8x8x768xf32, #tpu.memory_space<vmem>> -> memref<8x8x768xf32, #tpu.memory_space<vmem>>
    %dma_wait3A_22 = arith.constant 0 : i32
    %dma_wait3A_23 = tpu.memref_slice %arg5[%dma_wait3A, %dma_wait3A_22] : memref<16x8xi32, #tpu.memory_space<vmem>> -> memref<1x8xi32, #tpu.memory_space<vmem>>
    %dma_wait3A_24 = tpu.memref_squeeze %dma_wait3A_23 : memref<1x8xi32, #tpu.memory_space<vmem>> -> memref<8xi32, #tpu.memory_space<vmem>>
    %dma_wait3A_25 = arith.constant 0 : i32
    %dma_wait3A_26 = arith.constant 0 : i32
    %dma_wait3A_27 = arith.constant 0 : i32
    %dma_wait3A_28 = tpu.memref_slice %arg2[%dma_wait3A_25, %dma_wait3A_26, %dma_wait3A_27] : memref<4096x8x768xf32, #tpu.memory_space<hbm>> -> memref<4096x8x768xf32, #tpu.memory_space<hbm>>
    tpu.wait_indirect_dma semaphore(%arg7 : memref<!tpu.dma_semaphore, #tpu.memory_space<semaphore_mem>>) src(%dma_wait3A_28 : memref<4096x8x768xf32, #tpu.memory_space<hbm>>) dst(%dma_wait3A_21 : memref<8x8x768xf32, #tpu.memory_space<vmem>>)
    %dma_start3A_29 = arith.constant 1 : i32
    %dma_start3A_30 = arith.constant 1 : i32
    %dma_start3A_31 = arith.constant 0 : i32
    %dma_start3A_32 = arith.constant 0 : i32
    %dma_start3A_33 = arith.constant 0 : i32
    %dma_start3A_34 = tpu.memref_slice %arg6[%dma_start3A_30, %dma_start3A_31, %dma_start3A_32, %dma_start3A_33] : memref<2x8x8x768xf32, #tpu.memory_space<vmem>> -> memref<1x8x8x768xf32, #tpu.memory_space<vmem>>
    %dma_start3A_35 = tpu.memref_squeeze %dma_start3A_34 : memref<1x8x8x768xf32, #tpu.memory_space<vmem>> -> memref<8x8x768xf32, #tpu.memory_space<vmem>>
    %dma_start3A_36 = arith.constant 0 : i32
    %dma_start3A_37 = tpu.memref_slice %arg5[%dma_start3A_29, %dma_start3A_36] : memref<16x8xi32, #tpu.memory_space<vmem>> -> memref<1x8xi32, #tpu.memory_space<vmem>>
    %dma_start3A_38 = tpu.memref_squeeze %dma_start3A_37 : memref<1x8xi32, #tpu.memory_space<vmem>> -> memref<8xi32, #tpu.memory_space<vmem>>
    %dma_start3A_39 = arith.constant 0 : i32
    %dma_start3A_40 = arith.constant 0 : i32
    %dma_start3A_41 = arith.constant 0 : i32
    %dma_start3A_42 = tpu.memref_slice %arg2[%dma_start3A_39, %dma_start3A_40, %dma_start3A_41] : memref<4096x8x768xf32, #tpu.memory_space<hbm>> -> memref<4096x8x768xf32, #tpu.memory_space<hbm>>
    tpu.enqueue_indirect_dma source(%dma_start3A_42 : memref<4096x8x768xf32, #tpu.memory_space<hbm>>) target(%dma_start3A_35 : memref<8x8x768xf32, #tpu.memory_space<vmem>>) offsets(%dma_start3A_38 : memref<8xi32, #tpu.memory_space<vmem>>) semaphore(%arg8 : memref<!tpu.dma_semaphore, #tpu.memory_space<semaphore_mem>>)
    %add3A_43 = arith.constant 0 : i32
    %add3A_44 = arith.addi %mul3A_2, %add3A_43 : i32
    %dma_start3A_45 = arith.constant 0 : i32
    %dma_start3A_46 = arith.constant 0 : i32
    %dma_start3A_47 = arith.constant 0 : i32
    %dma_start3A_48 = arith.constant 0 : i32
    %dma_start3A_49 = tpu.memref_slice %arg6[%dma_start3A_45, %dma_start3A_46, %dma_start3A_47, %dma_start3A_48] : memref<2x8x8x768xf32, #tpu.memory_space<vmem>> -> memref<1x8x8x768xf32, #tpu.memory_space<vmem>>
    %dma_start3A_50 = tpu.memref_squeeze %dma_start3A_49 : memref<1x8x8x768xf32, #tpu.memory_space<vmem>> -> memref<8x8x768xf32, #tpu.memory_space<vmem>>
    %dma_start3A_51 = arith.constant 0 : i32
    %dma_start3A_52 = arith.constant 0 : i32
    %dma_start3A_53 = tpu.memref_slice %arg4[%add3A_44, %dma_start3A_51, %dma_start3A_52] : memref<4096x8x768xf32, #tpu.memory_space<hbm>> -> memref<8x8x768xf32, #tpu.memory_space<hbm>>
    %dma_start3A_54 = arith.constant 0 : i32
    %dma_start3A_55 = arith.constant 0 : i32
    %dma_start3A_56 = tpu.memref_slice %arg4[%add3A_44, %dma_start3A_54, %dma_start3A_55] : memref<4096x8x768xf32, #tpu.memory_space<hbm>> -> memref<8x8x768xf32, #tpu.memory_space<hbm>>
    %dma_start3A_57 = arith.constant 0 : i32
    %dma_start3A_58 = arith.constant 0 : i32
    %dma_start3A_59 = arith.constant 0 : i32
    %dma_start3A_60 = tpu.memref_slice %arg6[%dma_start3A_45, %dma_start3A_57, %dma_start3A_58, %dma_start3A_59] : memref<2x8x8x768xf32, #tpu.memory_space<vmem>> -> memref<1x8x8x768xf32, #tpu.memory_space<vmem>>
    %dma_start3A_61 = tpu.memref_squeeze %dma_start3A_60 : memref<1x8x8x768xf32, #tpu.memory_space<vmem>> -> memref<8x8x768xf32, #tpu.memory_space<vmem>>
    tpu.enqueue_dma source(%dma_start3A_61 : memref<8x8x768xf32, #tpu.memory_space<vmem>>) target(%dma_start3A_56 : memref<8x8x768xf32, #tpu.memory_space<hbm>>) target_semaphore(%arg9 : memref<!tpu.dma_semaphore, #tpu.memory_space<semaphore_mem>>)
    %dma_wait3A_62 = arith.constant 1 : i32
    %dma_wait3A_63 = arith.constant 1 : i32
    %dma_wait3A_64 = arith.constant 0 : i32
    %dma_wait3A_65 = arith.constant 0 : i32
    %dma_wait3A_66 = arith.constant 0 : i32
    %dma_wait3A_67 = tpu.memref_slice %arg6[%dma_wait3A_63, %dma_wait3A_64, %dma_wait3A_65, %dma_wait3A_66] : memref<2x8x8x768xf32, #tpu.memory_space<vmem>> -> memref<1x8x8x768xf32, #tpu.memory_space<vmem>>
    %dma_wait3A_68 = tpu.memref_squeeze %dma_wait3A_67 : memref<1x8x8x768xf32, #tpu.memory_space<vmem>> -> memref<8x8x768xf32, #tpu.memory_space<vmem>>
    %dma_wait3A_69 = arith.constant 0 : i32
    %dma_wait3A_70 = tpu.memref_slice %arg5[%dma_wait3A_62, %dma_wait3A_69] : memref<16x8xi32, #tpu.memory_space<vmem>> -> memref<1x8xi32, #tpu.memory_space<vmem>>
    %dma_wait3A_71 = tpu.memref_squeeze %dma_wait3A_70 : memref<1x8xi32, #tpu.memory_space<vmem>> -> memref<8xi32, #tpu.memory_space<vmem>>
    %dma_wait3A_72 = arith.constant 0 : i32
    %dma_wait3A_73 = arith.constant 0 : i32
    %dma_wait3A_74 = arith.constant 0 : i32
    %dma_wait3A_75 = tpu.memref_slice %arg2[%dma_wait3A_72, %dma_wait3A_73, %dma_wait3A_74] : memref<4096x8x768xf32, #tpu.memory_space<hbm>> -> memref<4096x8x768xf32, #tpu.memory_space<hbm>>
    tpu.wait_indirect_dma semaphore(%arg8 : memref<!tpu.dma_semaphore, #tpu.memory_space<semaphore_mem>>) src(%dma_wait3A_75 : memref<4096x8x768xf32, #tpu.memory_space<hbm>>) dst(%dma_wait3A_68 : memref<8x8x768xf32, #tpu.memory_space<vmem>>)
    %dma_wait3A_76 = arith.constant 0 : i32
    %dma_wait3A_77 = arith.constant 0 : i32
    %dma_wait3A_78 = arith.constant 0 : i32
    %dma_wait3A_79 = arith.constant 0 : i32
    %dma_wait3A_80 = tpu.memref_slice %arg6[%dma_wait3A_76, %dma_wait3A_77, %dma_wait3A_78, %dma_wait3A_79] : memref<2x8x8x768xf32, #tpu.memory_space<vmem>> -> memref<1x8x8x768xf32, #tpu.memory_space<vmem>>
    %dma_wait3A_81 = tpu.memref_squeeze %dma_wait3A_80 : memref<1x8x8x768xf32, #tpu.memory_space<vmem>> -> memref<8x8x768xf32, #tpu.memory_space<vmem>>
    %dma_wait3A_82 = arith.constant 0 : i32
    %dma_wait3A_83 = arith.constant 0 : i32
    %dma_wait3A_84 = tpu.memref_slice %arg4[%add3A_44, %dma_wait3A_82, %dma_wait3A_83] : memref<4096x8x768xf32, #tpu.memory_space<hbm>> -> memref<8x8x768xf32, #tpu.memory_space<hbm>>
    %dma_wait3A_85 = arith.constant 0 : i32
    %dma_wait3A_86 = arith.constant 0 : i32
    %dma_wait3A_87 = tpu.memref_slice %arg4[%add3A_44, %dma_wait3A_85, %dma_wait3A_86] : memref<4096x8x768xf32, #tpu.memory_space<hbm>> -> memref<8x8x768xf32, #tpu.memory_space<hbm>>
    %dma_wait3A_88 = arith.constant 0 : i32
    %dma_wait3A_89 = arith.constant 0 : i32
    %dma_wait3A_90 = arith.constant 0 : i32
    %dma_wait3A_91 = tpu.memref_slice %arg6[%dma_wait3A_76, %dma_wait3A_88, %dma_wait3A_89, %dma_wait3A_90] : memref<2x8x8x768xf32, #tpu.memory_space<vmem>> -> memref<1x8x8x768xf32, #tpu.memory_space<vmem>>
    %dma_wait3A_92 = tpu.memref_squeeze %dma_wait3A_91 : memref<1x8x8x768xf32, #tpu.memory_space<vmem>> -> memref<8x8x768xf32, #tpu.memory_space<vmem>>
    tpu.wait_dma2 semaphore(%arg9 : memref<!tpu.dma_semaphore, #tpu.memory_space<semaphore_mem>>) src(%dma_wait3A_92 : memref<8x8x768xf32, #tpu.memory_space<vmem>>) dst(%dma_wait3A_87 : memref<8x8x768xf32, #tpu.memory_space<hbm>>)
    %dma_start3A_93 = arith.constant 2 : i32
    %dma_start3A_94 = arith.constant 0 : i32
    %dma_start3A_95 = arith.constant 0 : i32
    %dma_start3A_96 = arith.constant 0 : i32
    %dma_start3A_97 = arith.constant 0 : i32
    %dma_start3A_98 = tpu.memref_slice %arg6[%dma_start3A_94, %dma_start3A_95, %dma_start3A_96, %dma_start3A_97] : memref<2x8x8x768xf32, #tpu.memory_space<vmem>> -> memref<1x8x8x768xf32, #tpu.memory_space<vmem>>
    %dma_start3A_99 = tpu.memref_squeeze %dma_start3A_98 : memref<1x8x8x768xf32, #tpu.memory_space<vmem>> -> memref<8x8x768xf32, #tpu.memory_space<vmem>>
    %dma_start3A_100 = arith.constant 0 : i32
    %dma_start3A_101 = tpu.memref_slice %arg5[%dma_start3A_93, %dma_start3A_100] : memref<16x8xi32, #tpu.memory_space<vmem>> -> memref<1x8xi32, #tpu.memory_space<vmem>>
    %dma_start3A_102 = tpu.memref_squeeze %dma_start3A_101 : memref<1x8xi32, #tpu.memory_space<vmem>> -> memref<8xi32, #tpu.memory_space<vmem>>
    %dma_start3A_103 = arith.constant 0 : i32
    %dma_start3A_104 = arith.constant 0 : i32
    %dma_start3A_105 = arith.constant 0 : i32
    %dma_start3A_106 = tpu.memref_slice %arg2[%dma_start3A_103, %dma_start3A_104, %dma_start3A_105] : memref<4096x8x768xf32, #tpu.memory_space<hbm>> -> memref<4096x8x768xf32, #tpu.memory_space<hbm>>
    tpu.enqueue_indirect_dma source(%dma_start3A_106 : memref<4096x8x768xf32, #tpu.memory_space<hbm>>) target(%dma_start3A_99 : memref<8x8x768xf32, #tpu.memory_space<vmem>>) offsets(%dma_start3A_102 : memref<8xi32, #tpu.memory_space<vmem>>) semaphore(%arg7 : memref<!tpu.dma_semaphore, #tpu.memory_space<semaphore_mem>>)
    %add3A_107 = arith.constant 8 : i32
    %add3A_108 = arith.addi %mul3A_2, %add3A_107 : i32
    %dma_start3A_109 = arith.constant 1 : i32
    %dma_start3A_110 = arith.constant 0 : i32
    %dma_start3A_111 = arith.constant 0 : i32
    %dma_start3A_112 = arith.constant 0 : i32
    %dma_start3A_113 = tpu.memref_slice %arg6[%dma_start3A_109, %dma_start3A_110, %dma_start3A_111, %dma_start3A_112] : memref<2x8x8x768xf32, #tpu.memory_space<vmem>> -> memref<1x8x8x768xf32, #tpu.memory_space<vmem>>
    %dma_start3A_114 = tpu.memref_squeeze %dma_start3A_113 : memref<1x8x8x768xf32, #tpu.memory_space<vmem>> -> memref<8x8x768xf32, #tpu.memory_space<vmem>>
    %dma_start3A_115 = arith.constant 0 : i32
    %dma_start3A_116 = arith.constant 0 : i32
    %dma_start3A_117 = tpu.memref_slice %arg4[%add3A_108, %dma_start3A_115, %dma_start3A_116] : memref<4096x8x768xf32, #tpu.memory_space<hbm>> -> memref<8x8x768xf32, #tpu.memory_space<hbm>>
    %dma_start3A_118 = arith.constant 0 : i32
    %dma_start3A_119 = arith.constant 0 : i32
    %dma_start3A_120 = tpu.memref_slice %arg4[%add3A_108, %dma_start3A_118, %dma_start3A_119] : memref<4096x8x768xf32, #tpu.memory_space<hbm>> -> memref<8x8x768xf32, #tpu.memory_space<hbm>>
    %dma_start3A_121 = arith.constant 0 : i32
    %dma_start3A_122 = arith.constant 0 : i32
    %dma_start3A_123 = arith.constant 0 : i32
    %dma_start3A_124 = tpu.memref_slice %arg6[%dma_start3A_109, %dma_start3A_121, %dma_start3A_122, %dma_start3A_123] : memref<2x8x8x768xf32, #tpu.memory_space<vmem>> -> memref<1x8x8x768xf32, #tpu.memory_space<vmem>>
    %dma_start3A_125 = tpu.memref_squeeze %dma_start3A_124 : memref<1x8x8x768xf32, #tpu.memory_space<vmem>> -> memref<8x8x768xf32, #tpu.memory_space<vmem>>
    tpu.enqueue_dma source(%dma_start3A_125 : memref<8x8x768xf32, #tpu.memory_space<vmem>>) target(%dma_start3A_120 : memref<8x8x768xf32, #tpu.memory_space<hbm>>) target_semaphore(%arg10 : memref<!tpu.dma_semaphore, #tpu.memory_space<semaphore_mem>>)
    %dma_wait3A_126 = arith.constant 2 : i32
    %dma_wait3A_127 = arith.constant 0 : i32
    %dma_wait3A_128 = arith.constant 0 : i32
    %dma_wait3A_129 = arith.constant 0 : i32
    %dma_wait3A_130 = arith.constant 0 : i32
    %dma_wait3A_131 = tpu.memref_slice %arg6[%dma_wait3A_127, %dma_wait3A_128, %dma_wait3A_129, %dma_wait3A_130] : memref<2x8x8x768xf32, #tpu.memory_space<vmem>> -> memref<1x8x8x768xf32, #tpu.memory_space<vmem>>
    %dma_wait3A_132 = tpu.memref_squeeze %dma_wait3A_131 : memref<1x8x8x768xf32, #tpu.memory_space<vmem>> -> memref<8x8x768xf32, #tpu.memory_space<vmem>>
    %dma_wait3A_133 = arith.constant 0 : i32
    %dma_wait3A_134 = tpu.memref_slice %arg5[%dma_wait3A_126, %dma_wait3A_133] : memref<16x8xi32, #tpu.memory_space<vmem>> -> memref<1x8xi32, #tpu.memory_space<vmem>>
    %dma_wait3A_135 = tpu.memref_squeeze %dma_wait3A_134 : memref<1x8xi32, #tpu.memory_space<vmem>> -> memref<8xi32, #tpu.memory_space<vmem>>
    %dma_wait3A_136 = arith.constant 0 : i32
    %dma_wait3A_137 = arith.constant 0 : i32
    %dma_wait3A_138 = arith.constant 0 : i32
    %dma_wait3A_139 = tpu.memref_slice %arg2[%dma_wait3A_136, %dma_wait3A_137, %dma_wait3A_138] : memref<4096x8x768xf32, #tpu.memory_space<hbm>> -> memref<4096x8x768xf32, #tpu.memory_space<hbm>>
    tpu.wait_indirect_dma semaphore(%arg7 : memref<!tpu.dma_semaphore, #tpu.memory_space<semaphore_mem>>) src(%dma_wait3A_139 : memref<4096x8x768xf32, #tpu.memory_space<hbm>>) dst(%dma_wait3A_132 : memref<8x8x768xf32, #tpu.memory_space<vmem>>)
    %dma_wait3A_140 = arith.constant 1 : i32
    %dma_wait3A_141 = arith.constant 0 : i32
    %dma_wait3A_142 = arith.constant 0 : i32
    %dma_wait3A_143 = arith.constant 0 : i32
    %dma_wait3A_144 = tpu.memref_slice %arg6[%dma_wait3A_140, %dma_wait3A_141, %dma_wait3A_142, %dma_wait3A_143] : memref<2x8x8x768xf32, #tpu.memory_space<vmem>> -> memref<1x8x8x768xf32, #tpu.memory_space<vmem>>
    %dma_wait3A_145 = tpu.memref_squeeze %dma_wait3A_144 : memref<1x8x8x768xf32, #tpu.memory_space<vmem>> -> memref<8x8x768xf32, #tpu.memory_space<vmem>>
    %dma_wait3A_146 = arith.constant 0 : i32
    %dma_wait3A_147 = arith.constant 0 : i32
    %dma_wait3A_148 = tpu.memref_slice %arg4[%add3A_108, %dma_wait3A_146, %dma_wait3A_147] : memref<4096x8x768xf32, #tpu.memory_space<hbm>> -> memref<8x8x768xf32, #tpu.memory_space<hbm>>
    %dma_wait3A_149 = arith.constant 0 : i32
    %dma_wait3A_150 = arith.constant 0 : i32
    %dma_wait3A_151 = tpu.memref_slice %arg4[%add3A_108, %dma_wait3A_149, %dma_wait3A_150] : memref<4096x8x768xf32, #tpu.memory_space<hbm>> -> memref<8x8x768xf32, #tpu.memory_space<hbm>>
    %dma_wait3A_152 = arith.constant 0 : i32
    %dma_wait3A_153 = arith.constant 0 : i32
    %dma_wait3A_154 = arith.constant 0 : i32
    %dma_wait3A_155 = tpu.memref_slice %arg6[%dma_wait3A_140, %dma_wait3A_152, %dma_wait3A_153, %dma_wait3A_154] : memref<2x8x8x768xf32, #tpu.memory_space<vmem>> -> memref<1x8x8x768xf32, #tpu.memory_space<vmem>>
    %dma_wait3A_156 = tpu.memref_squeeze %dma_wait3A_155 : memref<1x8x8x768xf32, #tpu.memory_space<vmem>> -> memref<8x8x768xf32, #tpu.memory_space<vmem>>
    tpu.wait_dma2 semaphore(%arg10 : memref<!tpu.dma_semaphore, #tpu.memory_space<semaphore_mem>>) src(%dma_wait3A_156 : memref<8x8x768xf32, #tpu.memory_space<vmem>>) dst(%dma_wait3A_151 : memref<8x8x768xf32, #tpu.memory_space<hbm>>)
    %dma_start3A_157 = arith.constant 3 : i32
    %dma_start3A_158 = arith.constant 1 : i32
    %dma_start3A_159 = arith.constant 0 : i32
    %dma_start3A_160 = arith.constant 0 : i32
    %dma_start3A_161 = arith.constant 0 : i32
    %dma_start3A_162 = tpu.memref_slice %arg6[%dma_start3A_158, %dma_start3A_159, %dma_start3A_160, %dma_start3A_161] : memref<2x8x8x768xf32, #tpu.memory_space<vmem>> -> memref<1x8x8x768xf32, #tpu.memory_space<vmem>>
    %dma_start3A_163 = tpu.memref_squeeze %dma_start3A_162 : memref<1x8x8x768xf32, #tpu.memory_space<vmem>> -> memref<8x8x768xf32, #tpu.memory_space<vmem>>
    %dma_start3A_164 = arith.constant 0 : i32
    %dma_start3A_165 = tpu.memref_slice %arg5[%dma_start3A_157, %dma_start3A_164] : memref<16x8xi32, #tpu.memory_space<vmem>> -> memref<1x8xi32, #tpu.memory_space<vmem>>
    %dma_start3A_166 = tpu.memref_squeeze %dma_start3A_165 : memref<1x8xi32, #tpu.memory_space<vmem>> -> memref<8xi32, #tpu.memory_space<vmem>>
    %dma_start3A_167 = arith.constant 0 : i32
    %dma_start3A_168 = arith.constant 0 : i32
    %dma_start3A_169 = arith.constant 0 : i32
    %dma_start3A_170 = tpu.memref_slice %arg2[%dma_start3A_167, %dma_start3A_168, %dma_start3A_169] : memref<4096x8x768xf32, #tpu.memory_space<hbm>> -> memref<4096x8x768xf32, #tpu.memory_space<hbm>>
    tpu.enqueue_indirect_dma source(%dma_start3A_170 : memref<4096x8x768xf32, #tpu.memory_space<hbm>>) target(%dma_start3A_163 : memref<8x8x768xf32, #tpu.memory_space<vmem>>) offsets(%dma_start3A_166 : memref<8xi32, #tpu.memory_space<vmem>>) semaphore(%arg8 : memref<!tpu.dma_semaphore, #tpu.memory_space<semaphore_mem>>)
    %add3A_171 = arith.constant 16 : i32
    %add3A_172 = arith.addi %mul3A_2, %add3A_171 : i32
    %dma_start3A_173 = arith.constant 0 : i32
    %dma_start3A_174 = arith.constant 0 : i32
    %dma_start3A_175 = arith.constant 0 : i32
    %dma_start3A_176 = arith.constant 0 : i32
    %dma_start3A_177 = tpu.memref_slice %arg6[%dma_start3A_173, %dma_start3A_174, %dma_start3A_175, %dma_start3A_176] : memref<2x8x8x768xf32, #tpu.memory_space<vmem>> -> memref<1x8x8x768xf32, #tpu.memory_space<vmem>>
    %dma_start3A_178 = tpu.memref_squeeze %dma_start3A_177 : memref<1x8x8x768xf32, #tpu.memory_space<vmem>> -> memref<8x8x768xf32, #tpu.memory_space<vmem>>
    %dma_start3A_179 = arith.constant 0 : i32
    %dma_start3A_180 = arith.constant 0 : i32
    %dma_start3A_181 = tpu.memref_slice %arg4[%add3A_172, %dma_start3A_179, %dma_start3A_180] : memref<4096x8x768xf32, #tpu.memory_space<hbm>> -> memref<8x8x768xf32, #tpu.memory_space<hbm>>
    %dma_start3A_182 = arith.constant 0 : i32
    %dma_start3A_183 = arith.constant 0 : i32
    %dma_start3A_184 = tpu.memref_slice %arg4[%add3A_172, %dma_start3A_182, %dma_start3A_183] : memref<4096x8x768xf32, #tpu.memory_space<hbm>> -> memref<8x8x768xf32, #tpu.memory_space<hbm>>
    %dma_start3A_185 = arith.constant 0 : i32
    %dma_start3A_186 = arith.constant 0 : i32
    %dma_start3A_187 = arith.constant 0 : i32
    %dma_start3A_188 = tpu.memref_slice %arg6[%dma_start3A_173, %dma_start3A_185, %dma_start3A_186, %dma_start3A_187] : memref<2x8x8x768xf32, #tpu.memory_space<vmem>> -> memref<1x8x8x768xf32, #tpu.memory_space<vmem>>
    %dma_start3A_189 = tpu.memref_squeeze %dma_start3A_188 : memref<1x8x8x768xf32, #tpu.memory_space<vmem>> -> memref<8x8x768xf32, #tpu.memory_space<vmem>>
    tpu.enqueue_dma source(%dma_start3A_189 : memref<8x8x768xf32, #tpu.memory_space<vmem>>) target(%dma_start3A_184 : memref<8x8x768xf32, #tpu.memory_space<hbm>>) target_semaphore(%arg9 : memref<!tpu.dma_semaphore, #tpu.memory_space<semaphore_mem>>)
    %dma_wait3A_190 = arith.constant 3 : i32
    %dma_wait3A_191 = arith.constant 1 : i32
    %dma_wait3A_192 = arith.constant 0 : i32
    %dma_wait3A_193 = arith.constant 0 : i32
    %dma_wait3A_194 = arith.constant 0 : i32
    %dma_wait3A_195 = tpu.memref_slice %arg6[%dma_wait3A_191, %dma_wait3A_192, %dma_wait3A_193, %dma_wait3A_194] : memref<2x8x8x768xf32, #tpu.memory_space<vmem>> -> memref<1x8x8x768xf32, #tpu.memory_space<vmem>>
    %dma_wait3A_196 = tpu.memref_squeeze %dma_wait3A_195 : memref<1x8x8x768xf32, #tpu.memory_space<vmem>> -> memref<8x8x768xf32, #tpu.memory_space<vmem>>
    %dma_wait3A_197 = arith.constant 0 : i32
    %dma_wait3A_198 = tpu.memref_slice %arg5[%dma_wait3A_190, %dma_wait3A_197] : memref<16x8xi32, #tpu.memory_space<vmem>> -> memref<1x8xi32, #tpu.memory_space<vmem>>
    %dma_wait3A_199 = tpu.memref_squeeze %dma_wait3A_198 : memref<1x8xi32, #tpu.memory_space<vmem>> -> memref<8xi32, #tpu.memory_space<vmem>>
    %dma_wait3A_200 = arith.constant 0 : i32
    %dma_wait3A_201 = arith.constant 0 : i32
    %dma_wait3A_202 = arith.constant 0 : i32
    %dma_wait3A_203 = tpu.memref_slice %arg2[%dma_wait3A_200, %dma_wait3A_201, %dma_wait3A_202] : memref<4096x8x768xf32, #tpu.memory_space<hbm>> -> memref<4096x8x768xf32, #tpu.memory_space<hbm>>
    tpu.wait_indirect_dma semaphore(%arg8 : memref<!tpu.dma_semaphore, #tpu.memory_space<semaphore_mem>>) src(%dma_wait3A_203 : memref<4096x8x768xf32, #tpu.memory_space<hbm>>) dst(%dma_wait3A_196 : memref<8x8x768xf32, #tpu.memory_space<vmem>>)
    %dma_wait3A_204 = arith.constant 0 : i32
    %dma_wait3A_205 = arith.constant 0 : i32
    %dma_wait3A_206 = arith.constant 0 : i32
    %dma_wait3A_207 = arith.constant 0 : i32
    %dma_wait3A_208 = tpu.memref_slice %arg6[%dma_wait3A_204, %dma_wait3A_205, %dma_wait3A_206, %dma_wait3A_207] : memref<2x8x8x768xf32, #tpu.memory_space<vmem>> -> memref<1x8x8x768xf32, #tpu.memory_space<vmem>>
    %dma_wait3A_209 = tpu.memref_squeeze %dma_wait3A_208 : memref<1x8x8x768xf32, #tpu.memory_space<vmem>> -> memref<8x8x768xf32, #tpu.memory_space<vmem>>
    %dma_wait3A_210 = arith.constant 0 : i32
    %dma_wait3A_211 = arith.constant 0 : i32
    %dma_wait3A_212 = tpu.memref_slice %arg4[%add3A_172, %dma_wait3A_210, %dma_wait3A_211] : memref<4096x8x768xf32, #tpu.memory_space<hbm>> -> memref<8x8x768xf32, #tpu.memory_space<hbm>>
    %dma_wait3A_213 = arith.constant 0 : i32
    %dma_wait3A_214 = arith.constant 0 : i32
    %dma_wait3A_215 = tpu.memref_slice %arg4[%add3A_172, %dma_wait3A_213, %dma_wait3A_214] : memref<4096x8x768xf32, #tpu.memory_space<hbm>> -> memref<8x8x768xf32, #tpu.memory_space<hbm>>
    %dma_wait3A_216 = arith.constant 0 : i32
    %dma_wait3A_217 = arith.constant 0 : i32
    %dma_wait3A_218 = arith.constant 0 : i32
    %dma_wait3A_219 = tpu.memref_slice %arg6[%dma_wait3A_204, %dma_wait3A_216, %dma_wait3A_217, %dma_wait3A_218] : memref<2x8x8x768xf32, #tpu.memory_space<vmem>> -> memref<1x8x8x768xf32, #tpu.memory_space<vmem>>
    %dma_wait3A_220 = tpu.memref_squeeze %dma_wait3A_219 : memref<1x8x8x768xf32, #tpu.memory_space<vmem>> -> memref<8x8x768xf32, #tpu.memory_space<vmem>>
    tpu.wait_dma2 semaphore(%arg9 : memref<!tpu.dma_semaphore, #tpu.memory_space<semaphore_mem>>) src(%dma_wait3A_220 : memref<8x8x768xf32, #tpu.memory_space<vmem>>) dst(%dma_wait3A_215 : memref<8x8x768xf32, #tpu.memory_space<hbm>>)
    %dma_start3A_221 = arith.constant 4 : i32
    %dma_start3A_222 = arith.constant 0 : i32
    %dma_start3A_223 = arith.constant 0 : i32
    %dma_start3A_224 = arith.constant 0 : i32
    %dma_start3A_225 = arith.constant 0 : i32
    %dma_start3A_226 = tpu.memref_slice %arg6[%dma_start3A_222, %dma_start3A_223, %dma_start3A_224, %dma_start3A_225] : memref<2x8x8x768xf32, #tpu.memory_space<vmem>> -> memref<1x8x8x768xf32, #tpu.memory_space<vmem>>
    %dma_start3A_227 = tpu.memref_squeeze %dma_start3A_226 : memref<1x8x8x768xf32, #tpu.memory_space<vmem>> -> memref<8x8x768xf32, #tpu.memory_space<vmem>>
    %dma_start3A_228 = arith.constant 0 : i32
    %dma_start3A_229 = tpu.memref_slice %arg5[%dma_start3A_221, %dma_start3A_228] : memref<16x8xi32, #tpu.memory_space<vmem>> -> memref<1x8xi32, #tpu.memory_space<vmem>>
    %dma_start3A_230 = tpu.memref_squeeze %dma_start3A_229 : memref<1x8xi32, #tpu.memory_space<vmem>> -> memref<8xi32, #tpu.memory_space<vmem>>
    %dma_start3A_231 = arith.constant 0 : i32
    %dma_start3A_232 = arith.constant 0 : i32
    %dma_start3A_233 = arith.constant 0 : i32
    %dma_start3A_234 = tpu.memref_slice %arg2[%dma_start3A_231, %dma_start3A_232, %dma_start3A_233] : memref<4096x8x768xf32, #tpu.memory_space<hbm>> -> memref<4096x8x768xf32, #tpu.memory_space<hbm>>
    tpu.enqueue_indirect_dma source(%dma_start3A_234 : memref<4096x8x768xf32, #tpu.memory_space<hbm>>) target(%dma_start3A_227 : memref<8x8x768xf32, #tpu.memory_space<vmem>>) offsets(%dma_start3A_230 : memref<8xi32, #tpu.memory_space<vmem>>) semaphore(%arg7 : memref<!tpu.dma_semaphore, #tpu.memory_space<semaphore_mem>>)
    %add3A_235 = arith.constant 24 : i32
    %add3A_236 = arith.addi %mul3A_2, %add3A_235 : i32
    %dma_start3A_237 = arith.constant 1 : i32
    %dma_start3A_238 = arith.constant 0 : i32
    %dma_start3A_239 = arith.constant 0 : i32
    %dma_start3A_240 = arith.constant 0 : i32
    %dma_start3A_241 = tpu.memref_slice %arg6[%dma_start3A_237, %dma_start3A_238, %dma_start3A_239, %dma_start3A_240] : memref<2x8x8x768xf32, #tpu.memory_space<vmem>> -> memref<1x8x8x768xf32, #tpu.memory_space<vmem>>
    %dma_start3A_242 = tpu.memref_squeeze %dma_start3A_241 : memref<1x8x8x768xf32, #tpu.memory_space<vmem>> -> memref<8x8x768xf32, #tpu.memory_space<vmem>>
    %dma_start3A_243 = arith.constant 0 : i32
    %dma_start3A_244 = arith.constant 0 : i32
    %dma_start3A_245 = tpu.memref_slice %arg4[%add3A_236, %dma_start3A_243, %dma_start3A_244] : memref<4096x8x768xf32, #tpu.memory_space<hbm>> -> memref<8x8x768xf32, #tpu.memory_space<hbm>>
    %dma_start3A_246 = arith.constant 0 : i32
    %dma_start3A_247 = arith.constant 0 : i32
    %dma_start3A_248 = tpu.memref_slice %arg4[%add3A_236, %dma_start3A_246, %dma_start3A_247] : memref<4096x8x768xf32, #tpu.memory_space<hbm>> -> memref<8x8x768xf32, #tpu.memory_space<hbm>>
    %dma_start3A_249 = arith.constant 0 : i32
    %dma_start3A_250 = arith.constant 0 : i32
    %dma_start3A_251 = arith.constant 0 : i32
    %dma_start3A_252 = tpu.memref_slice %arg6[%dma_start3A_237, %dma_start3A_249, %dma_start3A_250, %dma_start3A_251] : memref<2x8x8x768xf32, #tpu.memory_space<vmem>> -> memref<1x8x8x768xf32, #tpu.memory_space<vmem>>
    %dma_start3A_253 = tpu.memref_squeeze %dma_start3A_252 : memref<1x8x8x768xf32, #tpu.memory_space<vmem>> -> memref<8x8x768xf32, #tpu.memory_space<vmem>>
    tpu.enqueue_dma source(%dma_start3A_253 : memref<8x8x768xf32, #tpu.memory_space<vmem>>) target(%dma_start3A_248 : memref<8x8x768xf32, #tpu.memory_space<hbm>>) target_semaphore(%arg10 : memref<!tpu.dma_semaphore, #tpu.memory_space<semaphore_mem>>)
    %dma_wait3A_254 = arith.constant 4 : i32
    %dma_wait3A_255 = arith.constant 0 : i32
    %dma_wait3A_256 = arith.constant 0 : i32
    %dma_wait3A_257 = arith.constant 0 : i32
    %dma_wait3A_258 = arith.constant 0 : i32
    %dma_wait3A_259 = tpu.memref_slice %arg6[%dma_wait3A_255, %dma_wait3A_256, %dma_wait3A_257, %dma_wait3A_258] : memref<2x8x8x768xf32, #tpu.memory_space<vmem>> -> memref<1x8x8x768xf32, #tpu.memory_space<vmem>>
    %dma_wait3A_260 = tpu.memref_squeeze %dma_wait3A_259 : memref<1x8x8x768xf32, #tpu.memory_space<vmem>> -> memref<8x8x768xf32, #tpu.memory_space<vmem>>
    %dma_wait3A_261 = arith.constant 0 : i32
    %dma_wait3A_262 = tpu.memref_slice %arg5[%dma_wait3A_254, %dma_wait3A_261] : memref<16x8xi32, #tpu.memory_space<vmem>> -> memref<1x8xi32, #tpu.memory_space<vmem>>
    %dma_wait3A_263 = tpu.memref_squeeze %dma_wait3A_262 : memref<1x8xi32, #tpu.memory_space<vmem>> -> memref<8xi32, #tpu.memory_space<vmem>>
    %dma_wait3A_264 = arith.constant 0 : i32
    %dma_wait3A_265 = arith.constant 0 : i32
    %dma_wait3A_266 = arith.constant 0 : i32
    %dma_wait3A_267 = tpu.memref_slice %arg2[%dma_wait3A_264, %dma_wait3A_265, %dma_wait3A_266] : memref<4096x8x768xf32, #tpu.memory_space<hbm>> -> memref<4096x8x768xf32, #tpu.memory_space<hbm>>
    tpu.wait_indirect_dma semaphore(%arg7 : memref<!tpu.dma_semaphore, #tpu.memory_space<semaphore_mem>>) src(%dma_wait3A_267 : memref<4096x8x768xf32, #tpu.memory_space<hbm>>) dst(%dma_wait3A_260 : memref<8x8x768xf32, #tpu.memory_space<vmem>>)
    %dma_wait3A_268 = arith.constant 1 : i32
    %dma_wait3A_269 = arith.constant 0 : i32
    %dma_wait3A_270 = arith.constant 0 : i32
    %dma_wait3A_271 = arith.constant 0 : i32
    %dma_wait3A_272 = tpu.memref_slice %arg6[%dma_wait3A_268, %dma_wait3A_269, %dma_wait3A_270, %dma_wait3A_271] : memref<2x8x8x768xf32, #tpu.memory_space<vmem>> -> memref<1x8x8x768xf32, #tpu.memory_space<vmem>>
    %dma_wait3A_273 = tpu.memref_squeeze %dma_wait3A_272 : memref<1x8x8x768xf32, #tpu.memory_space<vmem>> -> memref<8x8x768xf32, #tpu.memory_space<vmem>>
    %dma_wait3A_274 = arith.constant 0 : i32
    %dma_wait3A_275 = arith.constant 0 : i32
    %dma_wait3A_276 = tpu.memref_slice %arg4[%add3A_236, %dma_wait3A_274, %dma_wait3A_275] : memref<4096x8x768xf32, #tpu.memory_space<hbm>> -> memref<8x8x768xf32, #tpu.memory_space<hbm>>
    %dma_wait3A_277 = arith.constant 0 : i32
    %dma_wait3A_278 = arith.constant 0 : i32
    %dma_wait3A_279 = tpu.memref_slice %arg4[%add3A_236, %dma_wait3A_277, %dma_wait3A_278] : memref<4096x8x768xf32, #tpu.memory_space<hbm>> -> memref<8x8x768xf32, #tpu.memory_space<hbm>>
    %dma_wait3A_280 = arith.constant 0 : i32
    %dma_wait3A_281 = arith.constant 0 : i32
    %dma_wait3A_282 = arith.constant 0 : i32
    %dma_wait3A_283 = tpu.memref_slice %arg6[%dma_wait3A_268, %dma_wait3A_280, %dma_wait3A_281, %dma_wait3A_282] : memref<2x8x8x768xf32, #tpu.memory_space<vmem>> -> memref<1x8x8x768xf32, #tpu.memory_space<vmem>>
    %dma_wait3A_284 = tpu.memref_squeeze %dma_wait3A_283 : memref<1x8x8x768xf32, #tpu.memory_space<vmem>> -> memref<8x8x768xf32, #tpu.memory_space<vmem>>
    tpu.wait_dma2 semaphore(%arg10 : memref<!tpu.dma_semaphore, #tpu.memory_space<semaphore_mem>>) src(%dma_wait3A_284 : memref<8x8x768xf32, #tpu.memory_space<vmem>>) dst(%dma_wait3A_279 : memref<8x8x768xf32, #tpu.memory_space<hbm>>)
    %dma_start3A_285 = arith.constant 5 : i32
    %dma_start3A_286 = arith.constant 1 : i32
    %dma_start3A_287 = arith.constant 0 : i32
    %dma_start3A_288 = arith.constant 0 : i32
    %dma_start3A_289 = arith.constant 0 : i32
    %dma_start3A_290 = tpu.memref_slice %arg6[%dma_start3A_286, %dma_start3A_287, %dma_start3A_288, %dma_start3A_289] : memref<2x8x8x768xf32, #tpu.memory_space<vmem>> -> memref<1x8x8x768xf32, #tpu.memory_space<vmem>>
    %dma_start3A_291 = tpu.memref_squeeze %dma_start3A_290 : memref<1x8x8x768xf32, #tpu.memory_space<vmem>> -> memref<8x8x768xf32, #tpu.memory_space<vmem>>
    %dma_start3A_292 = arith.constant 0 : i32
    %dma_start3A_293 = tpu.memref_slice %arg5[%dma_start3A_285, %dma_start3A_292] : memref<16x8xi32, #tpu.memory_space<vmem>> -> memref<1x8xi32, #tpu.memory_space<vmem>>
    %dma_start3A_294 = tpu.memref_squeeze %dma_start3A_293 : memref<1x8xi32, #tpu.memory_space<vmem>> -> memref<8xi32, #tpu.memory_space<vmem>>
    %dma_start3A_295 = arith.constant 0 : i32
    %dma_start3A_296 = arith.constant 0 : i32
    %dma_start3A_297 = arith.constant 0 : i32
    %dma_start3A_298 = tpu.memref_slice %arg2[%dma_start3A_295, %dma_start3A_296, %dma_start3A_297] : memref<4096x8x768xf32, #tpu.memory_space<hbm>> -> memref<4096x8x768xf32, #tpu.memory_space<hbm>>
    tpu.enqueue_indirect_dma source(%dma_start3A_298 : memref<4096x8x768xf32, #tpu.memory_space<hbm>>) target(%dma_start3A_291 : memref<8x8x768xf32, #tpu.memory_space<vmem>>) offsets(%dma_start3A_294 : memref<8xi32, #tpu.memory_space<vmem>>) semaphore(%arg8 : memref<!tpu.dma_semaphore, #tpu.memory_space<semaphore_mem>>)
    %add3A_299 = arith.constant 32 : i32
    %add3A_300 = arith.addi %mul3A_2, %add3A_299 : i32
    %dma_start3A_301 = arith.constant 0 : i32
    %dma_start3A_302 = arith.constant 0 : i32
    %dma_start3A_303 = arith.constant 0 : i32
    %dma_start3A_304 = arith.constant 0 : i32
    %dma_start3A_305 = tpu.memref_slice %arg6[%dma_start3A_301, %dma_start3A_302, %dma_start3A_303, %dma_start3A_304] : memref<2x8x8x768xf32, #tpu.memory_space<vmem>> -> memref<1x8x8x768xf32, #tpu.memory_space<vmem>>
    %dma_start3A_306 = tpu.memref_squeeze %dma_start3A_305 : memref<1x8x8x768xf32, #tpu.memory_space<vmem>> -> memref<8x8x768xf32, #tpu.memory_space<vmem>>
    %dma_start3A_307 = arith.constant 0 : i32
    %dma_start3A_308 = arith.constant 0 : i32
    %dma_start3A_309 = tpu.memref_slice %arg4[%add3A_300, %dma_start3A_307, %dma_start3A_308] : memref<4096x8x768xf32, #tpu.memory_space<hbm>> -> memref<8x8x768xf32, #tpu.memory_space<hbm>>
    %dma_start3A_310 = arith.constant 0 : i32
    %dma_start3A_311 = arith.constant 0 : i32
    %dma_start3A_312 = tpu.memref_slice %arg4[%add3A_300, %dma_start3A_310, %dma_start3A_311] : memref<4096x8x768xf32, #tpu.memory_space<hbm>> -> memref<8x8x768xf32, #tpu.memory_space<hbm>>
    %dma_start3A_313 = arith.constant 0 : i32
    %dma_start3A_314 = arith.constant 0 : i32
    %dma_start3A_315 = arith.constant 0 : i32
    %dma_start3A_316 = tpu.memref_slice %arg6[%dma_start3A_301, %dma_start3A_313, %dma_start3A_314, %dma_start3A_315] : memref<2x8x8x768xf32, #tpu.memory_space<vmem>> -> memref<1x8x8x768xf32, #tpu.memory_space<vmem>>
    %dma_start3A_317 = tpu.memref_squeeze %dma_start3A_316 : memref<1x8x8x768xf32, #tpu.memory_space<vmem>> -> memref<8x8x768xf32, #tpu.memory_space<vmem>>
    tpu.enqueue_dma source(%dma_start3A_317 : memref<8x8x768xf32, #tpu.memory_space<vmem>>) target(%dma_start3A_312 : memref<8x8x768xf32, #tpu.memory_space<hbm>>) target_semaphore(%arg9 : memref<!tpu.dma_semaphore, #tpu.memory_space<semaphore_mem>>)
    %dma_wait3A_318 = arith.constant 5 : i32
    %dma_wait3A_319 = arith.constant 1 : i32
    %dma_wait3A_320 = arith.constant 0 : i32
    %dma_wait3A_321 = arith.constant 0 : i32
    %dma_wait3A_322 = arith.constant 0 : i32
    %dma_wait3A_323 = tpu.memref_slice %arg6[%dma_wait3A_319, %dma_wait3A_320, %dma_wait3A_321, %dma_wait3A_322] : memref<2x8x8x768xf32, #tpu.memory_space<vmem>> -> memref<1x8x8x768xf32, #tpu.memory_space<vmem>>
    %dma_wait3A_324 = tpu.memref_squeeze %dma_wait3A_323 : memref<1x8x8x768xf32, #tpu.memory_space<vmem>> -> memref<8x8x768xf32, #tpu.memory_space<vmem>>
    %dma_wait3A_325 = arith.constant 0 : i32
    %dma_wait3A_326 = tpu.memref_slice %arg5[%dma_wait3A_318, %dma_wait3A_325] : memref<16x8xi32, #tpu.memory_space<vmem>> -> memref<1x8xi32, #tpu.memory_space<vmem>>
    %dma_wait3A_327 = tpu.memref_squeeze %dma_wait3A_326 : memref<1x8xi32, #tpu.memory_space<vmem>> -> memref<8xi32, #tpu.memory_space<vmem>>
    %dma_wait3A_328 = arith.constant 0 : i32
    %dma_wait3A_329 = arith.constant 0 : i32
    %dma_wait3A_330 = arith.constant 0 : i32
    %dma_wait3A_331 = tpu.memref_slice %arg2[%dma_wait3A_328, %dma_wait3A_329, %dma_wait3A_330] : memref<4096x8x768xf32, #tpu.memory_space<hbm>> -> memref<4096x8x768xf32, #tpu.memory_space<hbm>>
    tpu.wait_indirect_dma semaphore(%arg8 : memref<!tpu.dma_semaphore, #tpu.memory_space<semaphore_mem>>) src(%dma_wait3A_331 : memref<4096x8x768xf32, #tpu.memory_space<hbm>>) dst(%dma_wait3A_324 : memref<8x8x768xf32, #tpu.memory_space<vmem>>)
    %dma_wait3A_332 = arith.constant 0 : i32
    %dma_wait3A_333 = arith.constant 0 : i32
    %dma_wait3A_334 = arith.constant 0 : i32
    %dma_wait3A_335 = arith.constant 0 : i32
    %dma_wait3A_336 = tpu.memref_slice %arg6[%dma_wait3A_332, %dma_wait3A_333, %dma_wait3A_334, %dma_wait3A_335] : memref<2x8x8x768xf32, #tpu.memory_space<vmem>> -> memref<1x8x8x768xf32, #tpu.memory_space<vmem>>
    %dma_wait3A_337 = tpu.memref_squeeze %dma_wait3A_336 : memref<1x8x8x768xf32, #tpu.memory_space<vmem>> -> memref<8x8x768xf32, #tpu.memory_space<vmem>>
    %dma_wait3A_338 = arith.constant 0 : i32
    %dma_wait3A_339 = arith.constant 0 : i32
    %dma_wait3A_340 = tpu.memref_slice %arg4[%add3A_300, %dma_wait3A_338, %dma_wait3A_339] : memref<4096x8x768xf32, #tpu.memory_space<hbm>> -> memref<8x8x768xf32, #tpu.memory_space<hbm>>
    %dma_wait3A_341 = arith.constant 0 : i32
    %dma_wait3A_342 = arith.constant 0 : i32
    %dma_wait3A_343 = tpu.memref_slice %arg4[%add3A_300, %dma_wait3A_341, %dma_wait3A_342] : memref<4096x8x768xf32, #tpu.memory_space<hbm>> -> memref<8x8x768xf32, #tpu.memory_space<hbm>>
    %dma_wait3A_344 = arith.constant 0 : i32
    %dma_wait3A_345 = arith.constant 0 : i32
    %dma_wait3A_346 = arith.constant 0 : i32
    %dma_wait3A_347 = tpu.memref_slice %arg6[%dma_wait3A_332, %dma_wait3A_344, %dma_wait3A_345, %dma_wait3A_346] : memref<2x8x8x768xf32, #tpu.memory_space<vmem>> -> memref<1x8x8x768xf32, #tpu.memory_space<vmem>>
    %dma_wait3A_348 = tpu.memref_squeeze %dma_wait3A_347 : memref<1x8x8x768xf32, #tpu.memory_space<vmem>> -> memref<8x8x768xf32, #tpu.memory_space<vmem>>
    tpu.wait_dma2 semaphore(%arg9 : memref<!tpu.dma_semaphore, #tpu.memory_space<semaphore_mem>>) src(%dma_wait3A_348 : memref<8x8x768xf32, #tpu.memory_space<vmem>>) dst(%dma_wait3A_343 : memref<8x8x768xf32, #tpu.memory_space<hbm>>)
    %dma_start3A_349 = arith.constant 6 : i32
    %dma_start3A_350 = arith.constant 0 : i32
    %dma_start3A_351 = arith.constant 0 : i32
    %dma_start3A_352 = arith.constant 0 : i32
    %dma_start3A_353 = arith.constant 0 : i32
    %dma_start3A_354 = tpu.memref_slice %arg6[%dma_start3A_350, %dma_start3A_351, %dma_start3A_352, %dma_start3A_353] : memref<2x8x8x768xf32, #tpu.memory_space<vmem>> -> memref<1x8x8x768xf32, #tpu.memory_space<vmem>>
    %dma_start3A_355 = tpu.memref_squeeze %dma_start3A_354 : memref<1x8x8x768xf32, #tpu.memory_space<vmem>> -> memref<8x8x768xf32, #tpu.memory_space<vmem>>
    %dma_start3A_356 = arith.constant 0 : i32
    %dma_start3A_357 = tpu.memref_slice %arg5[%dma_start3A_349, %dma_start3A_356] : memref<16x8xi32, #tpu.memory_space<vmem>> -> memref<1x8xi32, #tpu.memory_space<vmem>>
    %dma_start3A_358 = tpu.memref_squeeze %dma_start3A_357 : memref<1x8xi32, #tpu.memory_space<vmem>> -> memref<8xi32, #tpu.memory_space<vmem>>
    %dma_start3A_359 = arith.constant 0 : i32
    %dma_start3A_360 = arith.constant 0 : i32
    %dma_start3A_361 = arith.constant 0 : i32
    %dma_start3A_362 = tpu.memref_slice %arg2[%dma_start3A_359, %dma_start3A_360, %dma_start3A_361] : memref<4096x8x768xf32, #tpu.memory_space<hbm>> -> memref<4096x8x768xf32, #tpu.memory_space<hbm>>
    tpu.enqueue_indirect_dma source(%dma_start3A_362 : memref<4096x8x768xf32, #tpu.memory_space<hbm>>) target(%dma_start3A_355 : memref<8x8x768xf32, #tpu.memory_space<vmem>>) offsets(%dma_start3A_358 : memref<8xi32, #tpu.memory_space<vmem>>) semaphore(%arg7 : memref<!tpu.dma_semaphore, #tpu.memory_space<semaphore_mem>>)
    %add3A_363 = arith.constant 40 : i32
    %add3A_364 = arith.addi %mul3A_2, %add3A_363 : i32
    %dma_start3A_365 = arith.constant 1 : i32
    %dma_start3A_366 = arith.constant 0 : i32
    %dma_start3A_367 = arith.constant 0 : i32
    %dma_start3A_368 = arith.constant 0 : i32
    %dma_start3A_369 = tpu.memref_slice %arg6[%dma_start3A_365, %dma_start3A_366, %dma_start3A_367, %dma_start3A_368] : memref<2x8x8x768xf32, #tpu.memory_space<vmem>> -> memref<1x8x8x768xf32, #tpu.memory_space<vmem>>
    %dma_start3A_370 = tpu.memref_squeeze %dma_start3A_369 : memref<1x8x8x768xf32, #tpu.memory_space<vmem>> -> memref<8x8x768xf32, #tpu.memory_space<vmem>>
    %dma_start3A_371 = arith.constant 0 : i32
    %dma_start3A_372 = arith.constant 0 : i32
    %dma_start3A_373 = tpu.memref_slice %arg4[%add3A_364, %dma_start3A_371, %dma_start3A_372] : memref<4096x8x768xf32, #tpu.memory_space<hbm>> -> memref<8x8x768xf32, #tpu.memory_space<hbm>>
    %dma_start3A_374 = arith.constant 0 : i32
    %dma_start3A_375 = arith.constant 0 : i32
    %dma_start3A_376 = tpu.memref_slice %arg4[%add3A_364, %dma_start3A_374, %dma_start3A_375] : memref<4096x8x768xf32, #tpu.memory_space<hbm>> -> memref<8x8x768xf32, #tpu.memory_space<hbm>>
    %dma_start3A_377 = arith.constant 0 : i32
    %dma_start3A_378 = arith.constant 0 : i32
    %dma_start3A_379 = arith.constant 0 : i32
    %dma_start3A_380 = tpu.memref_slice %arg6[%dma_start3A_365, %dma_start3A_377, %dma_start3A_378, %dma_start3A_379] : memref<2x8x8x768xf32, #tpu.memory_space<vmem>> -> memref<1x8x8x768xf32, #tpu.memory_space<vmem>>
    %dma_start3A_381 = tpu.memref_squeeze %dma_start3A_380 : memref<1x8x8x768xf32, #tpu.memory_space<vmem>> -> memref<8x8x768xf32, #tpu.memory_space<vmem>>
    tpu.enqueue_dma source(%dma_start3A_381 : memref<8x8x768xf32, #tpu.memory_space<vmem>>) target(%dma_start3A_376 : memref<8x8x768xf32, #tpu.memory_space<hbm>>) target_semaphore(%arg10 : memref<!tpu.dma_semaphore, #tpu.memory_space<semaphore_mem>>)
    %dma_wait3A_382 = arith.constant 6 : i32
    %dma_wait3A_383 = arith.constant 0 : i32
    %dma_wait3A_384 = arith.constant 0 : i32
    %dma_wait3A_385 = arith.constant 0 : i32
    %dma_wait3A_386 = arith.constant 0 : i32
    %dma_wait3A_387 = tpu.memref_slice %arg6[%dma_wait3A_383, %dma_wait3A_384, %dma_wait3A_385, %dma_wait3A_386] : memref<2x8x8x768xf32, #tpu.memory_space<vmem>> -> memref<1x8x8x768xf32, #tpu.memory_space<vmem>>
    %dma_wait3A_388 = tpu.memref_squeeze %dma_wait3A_387 : memref<1x8x8x768xf32, #tpu.memory_space<vmem>> -> memref<8x8x768xf32, #tpu.memory_space<vmem>>
    %dma_wait3A_389 = arith.constant 0 : i32
    %dma_wait3A_390 = tpu.memref_slice %arg5[%dma_wait3A_382, %dma_wait3A_389] : memref<16x8xi32, #tpu.memory_space<vmem>> -> memref<1x8xi32, #tpu.memory_space<vmem>>
    %dma_wait3A_391 = tpu.memref_squeeze %dma_wait3A_390 : memref<1x8xi32, #tpu.memory_space<vmem>> -> memref<8xi32, #tpu.memory_space<vmem>>
    %dma_wait3A_392 = arith.constant 0 : i32
    %dma_wait3A_393 = arith.constant 0 : i32
    %dma_wait3A_394 = arith.constant 0 : i32
    %dma_wait3A_395 = tpu.memref_slice %arg2[%dma_wait3A_392, %dma_wait3A_393, %dma_wait3A_394] : memref<4096x8x768xf32, #tpu.memory_space<hbm>> -> memref<4096x8x768xf32, #tpu.memory_space<hbm>>
    tpu.wait_indirect_dma semaphore(%arg7 : memref<!tpu.dma_semaphore, #tpu.memory_space<semaphore_mem>>) src(%dma_wait3A_395 : memref<4096x8x768xf32, #tpu.memory_space<hbm>>) dst(%dma_wait3A_388 : memref<8x8x768xf32, #tpu.memory_space<vmem>>)
    %dma_wait3A_396 = arith.constant 1 : i32
    %dma_wait3A_397 = arith.constant 0 : i32
    %dma_wait3A_398 = arith.constant 0 : i32
    %dma_wait3A_399 = arith.constant 0 : i32
    %dma_wait3A_400 = tpu.memref_slice %arg6[%dma_wait3A_396, %dma_wait3A_397, %dma_wait3A_398, %dma_wait3A_399] : memref<2x8x8x768xf32, #tpu.memory_space<vmem>> -> memref<1x8x8x768xf32, #tpu.memory_space<vmem>>
    %dma_wait3A_401 = tpu.memref_squeeze %dma_wait3A_400 : memref<1x8x8x768xf32, #tpu.memory_space<vmem>> -> memref<8x8x768xf32, #tpu.memory_space<vmem>>
    %dma_wait3A_402 = arith.constant 0 : i32
    %dma_wait3A_403 = arith.constant 0 : i32
    %dma_wait3A_404 = tpu.memref_slice %arg4[%add3A_364, %dma_wait3A_402, %dma_wait3A_403] : memref<4096x8x768xf32, #tpu.memory_space<hbm>> -> memref<8x8x768xf32, #tpu.memory_space<hbm>>
    %dma_wait3A_405 = arith.constant 0 : i32
    %dma_wait3A_406 = arith.constant 0 : i32
    %dma_wait3A_407 = tpu.memref_slice %arg4[%add3A_364, %dma_wait3A_405, %dma_wait3A_406] : memref<4096x8x768xf32, #tpu.memory_space<hbm>> -> memref<8x8x768xf32, #tpu.memory_space<hbm>>
    %dma_wait3A_408 = arith.constant 0 : i32
    %dma_wait3A_409 = arith.constant 0 : i32
    %dma_wait3A_410 = arith.constant 0 : i32
    %dma_wait3A_411 = tpu.memref_slice %arg6[%dma_wait3A_396, %dma_wait3A_408, %dma_wait3A_409, %dma_wait3A_410] : memref<2x8x8x768xf32, #tpu.memory_space<vmem>> -> memref<1x8x8x768xf32, #tpu.memory_space<vmem>>
    %dma_wait3A_412 = tpu.memref_squeeze %dma_wait3A_411 : memref<1x8x8x768xf32, #tpu.memory_space<vmem>> -> memref<8x8x768xf32, #tpu.memory_space<vmem>>
    tpu.wait_dma2 semaphore(%arg10 : memref<!tpu.dma_semaphore, #tpu.memory_space<semaphore_mem>>) src(%dma_wait3A_412 : memref<8x8x768xf32, #tpu.memory_space<vmem>>) dst(%dma_wait3A_407 : memref<8x8x768xf32, #tpu.memory_space<hbm>>)
    %dma_start3A_413 = arith.constant 7 : i32
    %dma_start3A_414 = arith.constant 1 : i32
    %dma_start3A_415 = arith.constant 0 : i32
    %dma_start3A_416 = arith.constant 0 : i32
    %dma_start3A_417 = arith.constant 0 : i32
    %dma_start3A_418 = tpu.memref_slice %arg6[%dma_start3A_414, %dma_start3A_415, %dma_start3A_416, %dma_start3A_417] : memref<2x8x8x768xf32, #tpu.memory_space<vmem>> -> memref<1x8x8x768xf32, #tpu.memory_space<vmem>>
    %dma_start3A_419 = tpu.memref_squeeze %dma_start3A_418 : memref<1x8x8x768xf32, #tpu.memory_space<vmem>> -> memref<8x8x768xf32, #tpu.memory_space<vmem>>
    %dma_start3A_420 = arith.constant 0 : i32
    %dma_start3A_421 = tpu.memref_slice %arg5[%dma_start3A_413, %dma_start3A_420] : memref<16x8xi32, #tpu.memory_space<vmem>> -> memref<1x8xi32, #tpu.memory_space<vmem>>
    %dma_start3A_422 = tpu.memref_squeeze %dma_start3A_421 : memref<1x8xi32, #tpu.memory_space<vmem>> -> memref<8xi32, #tpu.memory_space<vmem>>
    %dma_start3A_423 = arith.constant 0 : i32
    %dma_start3A_424 = arith.constant 0 : i32
    %dma_start3A_425 = arith.constant 0 : i32
    %dma_start3A_426 = tpu.memref_slice %arg2[%dma_start3A_423, %dma_start3A_424, %dma_start3A_425] : memref<4096x8x768xf32, #tpu.memory_space<hbm>> -> memref<4096x8x768xf32, #tpu.memory_space<hbm>>
    tpu.enqueue_indirect_dma source(%dma_start3A_426 : memref<4096x8x768xf32, #tpu.memory_space<hbm>>) target(%dma_start3A_419 : memref<8x8x768xf32, #tpu.memory_space<vmem>>) offsets(%dma_start3A_422 : memref<8xi32, #tpu.memory_space<vmem>>) semaphore(%arg8 : memref<!tpu.dma_semaphore, #tpu.memory_space<semaphore_mem>>)
    %add3A_427 = arith.constant 48 : i32
    %add3A_428 = arith.addi %mul3A_2, %add3A_427 : i32
    %dma_start3A_429 = arith.constant 0 : i32
    %dma_start3A_430 = arith.constant 0 : i32
    %dma_start3A_431 = arith.constant 0 : i32
    %dma_start3A_432 = arith.constant 0 : i32
    %dma_start3A_433 = tpu.memref_slice %arg6[%dma_start3A_429, %dma_start3A_430, %dma_start3A_431, %dma_start3A_432] : memref<2x8x8x768xf32, #tpu.memory_space<vmem>> -> memref<1x8x8x768xf32, #tpu.memory_space<vmem>>
    %dma_start3A_434 = tpu.memref_squeeze %dma_start3A_433 : memref<1x8x8x768xf32, #tpu.memory_space<vmem>> -> memref<8x8x768xf32, #tpu.memory_space<vmem>>
    %dma_start3A_435 = arith.constant 0 : i32
    %dma_start3A_436 = arith.constant 0 : i32
    %dma_start3A_437 = tpu.memref_slice %arg4[%add3A_428, %dma_start3A_435, %dma_start3A_436] : memref<4096x8x768xf32, #tpu.memory_space<hbm>> -> memref<8x8x768xf32, #tpu.memory_space<hbm>>
    %dma_start3A_438 = arith.constant 0 : i32
    %dma_start3A_439 = arith.constant 0 : i32
    %dma_start3A_440 = tpu.memref_slice %arg4[%add3A_428, %dma_start3A_438, %dma_start3A_439] : memref<4096x8x768xf32, #tpu.memory_space<hbm>> -> memref<8x8x768xf32, #tpu.memory_space<hbm>>
    %dma_start3A_441 = arith.constant 0 : i32
    %dma_start3A_442 = arith.constant 0 : i32
    %dma_start3A_443 = arith.constant 0 : i32
    %dma_start3A_444 = tpu.memref_slice %arg6[%dma_start3A_429, %dma_start3A_441, %dma_start3A_442, %dma_start3A_443] : memref<2x8x8x768xf32, #tpu.memory_space<vmem>> -> memref<1x8x8x768xf32, #tpu.memory_space<vmem>>
    %dma_start3A_445 = tpu.memref_squeeze %dma_start3A_444 : memref<1x8x8x768xf32, #tpu.memory_space<vmem>> -> memref<8x8x768xf32, #tpu.memory_space<vmem>>
    tpu.enqueue_dma source(%dma_start3A_445 : memref<8x8x768xf32, #tpu.memory_space<vmem>>) target(%dma_start3A_440 : memref<8x8x768xf32, #tpu.memory_space<hbm>>) target_semaphore(%arg9 : memref<!tpu.dma_semaphore, #tpu.memory_space<semaphore_mem>>)
    %dma_wait3A_446 = arith.constant 7 : i32
    %dma_wait3A_447 = arith.constant 1 : i32
    %dma_wait3A_448 = arith.constant 0 : i32
    %dma_wait3A_449 = arith.constant 0 : i32
    %dma_wait3A_450 = arith.constant 0 : i32
    %dma_wait3A_451 = tpu.memref_slice %arg6[%dma_wait3A_447, %dma_wait3A_448, %dma_wait3A_449, %dma_wait3A_450] : memref<2x8x8x768xf32, #tpu.memory_space<vmem>> -> memref<1x8x8x768xf32, #tpu.memory_space<vmem>>
    %dma_wait3A_452 = tpu.memref_squeeze %dma_wait3A_451 : memref<1x8x8x768xf32, #tpu.memory_space<vmem>> -> memref<8x8x768xf32, #tpu.memory_space<vmem>>
    %dma_wait3A_453 = arith.constant 0 : i32
    %dma_wait3A_454 = tpu.memref_slice %arg5[%dma_wait3A_446, %dma_wait3A_453] : memref<16x8xi32, #tpu.memory_space<vmem>> -> memref<1x8xi32, #tpu.memory_space<vmem>>
    %dma_wait3A_455 = tpu.memref_squeeze %dma_wait3A_454 : memref<1x8xi32, #tpu.memory_space<vmem>> -> memref<8xi32, #tpu.memory_space<vmem>>
    %dma_wait3A_456 = arith.constant 0 : i32
    %dma_wait3A_457 = arith.constant 0 : i32
    %dma_wait3A_458 = arith.constant 0 : i32
    %dma_wait3A_459 = tpu.memref_slice %arg2[%dma_wait3A_456, %dma_wait3A_457, %dma_wait3A_458] : memref<4096x8x768xf32, #tpu.memory_space<hbm>> -> memref<4096x8x768xf32, #tpu.memory_space<hbm>>
    tpu.wait_indirect_dma semaphore(%arg8 : memref<!tpu.dma_semaphore, #tpu.memory_space<semaphore_mem>>) src(%dma_wait3A_459 : memref<4096x8x768xf32, #tpu.memory_space<hbm>>) dst(%dma_wait3A_452 : memref<8x8x768xf32, #tpu.memory_space<vmem>>)
    %dma_wait3A_460 = arith.constant 0 : i32
    %dma_wait3A_461 = arith.constant 0 : i32
    %dma_wait3A_462 = arith.constant 0 : i32
    %dma_wait3A_463 = arith.constant 0 : i32
    %dma_wait3A_464 = tpu.memref_slice %arg6[%dma_wait3A_460, %dma_wait3A_461, %dma_wait3A_462, %dma_wait3A_463] : memref<2x8x8x768xf32, #tpu.memory_space<vmem>> -> memref<1x8x8x768xf32, #tpu.memory_space<vmem>>
    %dma_wait3A_465 = tpu.memref_squeeze %dma_wait3A_464 : memref<1x8x8x768xf32, #tpu.memory_space<vmem>> -> memref<8x8x768xf32, #tpu.memory_space<vmem>>
    %dma_wait3A_466 = arith.constant 0 : i32
    %dma_wait3A_467 = arith.constant 0 : i32
    %dma_wait3A_468 = tpu.memref_slice %arg4[%add3A_428, %dma_wait3A_466, %dma_wait3A_467] : memref<4096x8x768xf32, #tpu.memory_space<hbm>> -> memref<8x8x768xf32, #tpu.memory_space<hbm>>
    %dma_wait3A_469 = arith.constant 0 : i32
    %dma_wait3A_470 = arith.constant 0 : i32
    %dma_wait3A_471 = tpu.memref_slice %arg4[%add3A_428, %dma_wait3A_469, %dma_wait3A_470] : memref<4096x8x768xf32, #tpu.memory_space<hbm>> -> memref<8x8x768xf32, #tpu.memory_space<hbm>>
    %dma_wait3A_472 = arith.constant 0 : i32
    %dma_wait3A_473 = arith.constant 0 : i32
    %dma_wait3A_474 = arith.constant 0 : i32
    %dma_wait3A_475 = tpu.memref_slice %arg6[%dma_wait3A_460, %dma_wait3A_472, %dma_wait3A_473, %dma_wait3A_474] : memref<2x8x8x768xf32, #tpu.memory_space<vmem>> -> memref<1x8x8x768xf32, #tpu.memory_space<vmem>>
    %dma_wait3A_476 = tpu.memref_squeeze %dma_wait3A_475 : memref<1x8x8x768xf32, #tpu.memory_space<vmem>> -> memref<8x8x768xf32, #tpu.memory_space<vmem>>
    tpu.wait_dma2 semaphore(%arg9 : memref<!tpu.dma_semaphore, #tpu.memory_space<semaphore_mem>>) src(%dma_wait3A_476 : memref<8x8x768xf32, #tpu.memory_space<vmem>>) dst(%dma_wait3A_471 : memref<8x8x768xf32, #tpu.memory_space<hbm>>)
    %dma_start3A_477 = arith.constant 8 : i32
    %dma_start3A_478 = arith.constant 0 : i32
    %dma_start3A_479 = arith.constant 0 : i32
    %dma_start3A_480 = arith.constant 0 : i32
    %dma_start3A_481 = arith.constant 0 : i32
    %dma_start3A_482 = tpu.memref_slice %arg6[%dma_start3A_478, %dma_start3A_479, %dma_start3A_480, %dma_start3A_481] : memref<2x8x8x768xf32, #tpu.memory_space<vmem>> -> memref<1x8x8x768xf32, #tpu.memory_space<vmem>>
    %dma_start3A_483 = tpu.memref_squeeze %dma_start3A_482 : memref<1x8x8x768xf32, #tpu.memory_space<vmem>> -> memref<8x8x768xf32, #tpu.memory_space<vmem>>
    %dma_start3A_484 = arith.constant 0 : i32
    %dma_start3A_485 = tpu.memref_slice %arg5[%dma_start3A_477, %dma_start3A_484] : memref<16x8xi32, #tpu.memory_space<vmem>> -> memref<1x8xi32, #tpu.memory_space<vmem>>
    %dma_start3A_486 = tpu.memref_squeeze %dma_start3A_485 : memref<1x8xi32, #tpu.memory_space<vmem>> -> memref<8xi32, #tpu.memory_space<vmem>>
    %dma_start3A_487 = arith.constant 0 : i32
    %dma_start3A_488 = arith.constant 0 : i32
    %dma_start3A_489 = arith.constant 0 : i32
    %dma_start3A_490 = tpu.memref_slice %arg2[%dma_start3A_487, %dma_start3A_488, %dma_start3A_489] : memref<4096x8x768xf32, #tpu.memory_space<hbm>> -> memref<4096x8x768xf32, #tpu.memory_space<hbm>>
    tpu.enqueue_indirect_dma source(%dma_start3A_490 : memref<4096x8x768xf32, #tpu.memory_space<hbm>>) target(%dma_start3A_483 : memref<8x8x768xf32, #tpu.memory_space<vmem>>) offsets(%dma_start3A_486 : memref<8xi32, #tpu.memory_space<vmem>>) semaphore(%arg7 : memref<!tpu.dma_semaphore, #tpu.memory_space<semaphore_mem>>)
    %add3A_491 = arith.constant 56 : i32
    %add3A_492 = arith.addi %mul3A_2, %add3A_491 : i32
    %dma_start3A_493 = arith.constant 1 : i32
    %dma_start3A_494 = arith.constant 0 : i32
    %dma_start3A_495 = arith.constant 0 : i32
    %dma_start3A_496 = arith.constant 0 : i32
    %dma_start3A_497 = tpu.memref_slice %arg6[%dma_start3A_493, %dma_start3A_494, %dma_start3A_495, %dma_start3A_496] : memref<2x8x8x768xf32, #tpu.memory_space<vmem>> -> memref<1x8x8x768xf32, #tpu.memory_space<vmem>>
    %dma_start3A_498 = tpu.memref_squeeze %dma_start3A_497 : memref<1x8x8x768xf32, #tpu.memory_space<vmem>> -> memref<8x8x768xf32, #tpu.memory_space<vmem>>
    %dma_start3A_499 = arith.constant 0 : i32
    %dma_start3A_500 = arith.constant 0 : i32
    %dma_start3A_501 = tpu.memref_slice %arg4[%add3A_492, %dma_start3A_499, %dma_start3A_500] : memref<4096x8x768xf32, #tpu.memory_space<hbm>> -> memref<8x8x768xf32, #tpu.memory_space<hbm>>
    %dma_start3A_502 = arith.constant 0 : i32
    %dma_start3A_503 = arith.constant 0 : i32
    %dma_start3A_504 = tpu.memref_slice %arg4[%add3A_492, %dma_start3A_502, %dma_start3A_503] : memref<4096x8x768xf32, #tpu.memory_space<hbm>> -> memref<8x8x768xf32, #tpu.memory_space<hbm>>
    %dma_start3A_505 = arith.constant 0 : i32
    %dma_start3A_506 = arith.constant 0 : i32
    %dma_start3A_507 = arith.constant 0 : i32
    %dma_start3A_508 = tpu.memref_slice %arg6[%dma_start3A_493, %dma_start3A_505, %dma_start3A_506, %dma_start3A_507] : memref<2x8x8x768xf32, #tpu.memory_space<vmem>> -> memref<1x8x8x768xf32, #tpu.memory_space<vmem>>
    %dma_start3A_509 = tpu.memref_squeeze %dma_start3A_508 : memref<1x8x8x768xf32, #tpu.memory_space<vmem>> -> memref<8x8x768xf32, #tpu.memory_space<vmem>>
    tpu.enqueue_dma source(%dma_start3A_509 : memref<8x8x768xf32, #tpu.memory_space<vmem>>) target(%dma_start3A_504 : memref<8x8x768xf32, #tpu.memory_space<hbm>>) target_semaphore(%arg10 : memref<!tpu.dma_semaphore, #tpu.memory_space<semaphore_mem>>)
    %dma_wait3A_510 = arith.constant 8 : i32
    %dma_wait3A_511 = arith.constant 0 : i32
    %dma_wait3A_512 = arith.constant 0 : i32
    %dma_wait3A_513 = arith.constant 0 : i32
    %dma_wait3A_514 = arith.constant 0 : i32
    %dma_wait3A_515 = tpu.memref_slice %arg6[%dma_wait3A_511, %dma_wait3A_512, %dma_wait3A_513, %dma_wait3A_514] : memref<2x8x8x768xf32, #tpu.memory_space<vmem>> -> memref<1x8x8x768xf32, #tpu.memory_space<vmem>>
    %dma_wait3A_516 = tpu.memref_squeeze %dma_wait3A_515 : memref<1x8x8x768xf32, #tpu.memory_space<vmem>> -> memref<8x8x768xf32, #tpu.memory_space<vmem>>
    %dma_wait3A_517 = arith.constant 0 : i32
    %dma_wait3A_518 = tpu.memref_slice %arg5[%dma_wait3A_510, %dma_wait3A_517] : memref<16x8xi32, #tpu.memory_space<vmem>> -> memref<1x8xi32, #tpu.memory_space<vmem>>
    %dma_wait3A_519 = tpu.memref_squeeze %dma_wait3A_518 : memref<1x8xi32, #tpu.memory_space<vmem>> -> memref<8xi32, #tpu.memory_space<vmem>>
    %dma_wait3A_520 = arith.constant 0 : i32
    %dma_wait3A_521 = arith.constant 0 : i32
    %dma_wait3A_522 = arith.constant 0 : i32
    %dma_wait3A_523 = tpu.memref_slice %arg2[%dma_wait3A_520, %dma_wait3A_521, %dma_wait3A_522] : memref<4096x8x768xf32, #tpu.memory_space<hbm>> -> memref<4096x8x768xf32, #tpu.memory_space<hbm>>
    tpu.wait_indirect_dma semaphore(%arg7 : memref<!tpu.dma_semaphore, #tpu.memory_space<semaphore_mem>>) src(%dma_wait3A_523 : memref<4096x8x768xf32, #tpu.memory_space<hbm>>) dst(%dma_wait3A_516 : memref<8x8x768xf32, #tpu.memory_space<vmem>>)
    %dma_wait3A_524 = arith.constant 1 : i32
    %dma_wait3A_525 = arith.constant 0 : i32
    %dma_wait3A_526 = arith.constant 0 : i32
    %dma_wait3A_527 = arith.constant 0 : i32
    %dma_wait3A_528 = tpu.memref_slice %arg6[%dma_wait3A_524, %dma_wait3A_525, %dma_wait3A_526, %dma_wait3A_527] : memref<2x8x8x768xf32, #tpu.memory_space<vmem>> -> memref<1x8x8x768xf32, #tpu.memory_space<vmem>>
    %dma_wait3A_529 = tpu.memref_squeeze %dma_wait3A_528 : memref<1x8x8x768xf32, #tpu.memory_space<vmem>> -> memref<8x8x768xf32, #tpu.memory_space<vmem>>
    %dma_wait3A_530 = arith.constant 0 : i32
    %dma_wait3A_531 = arith.constant 0 : i32
    %dma_wait3A_532 = tpu.memref_slice %arg4[%add3A_492, %dma_wait3A_530, %dma_wait3A_531] : memref<4096x8x768xf32, #tpu.memory_space<hbm>> -> memref<8x8x768xf32, #tpu.memory_space<hbm>>
    %dma_wait3A_533 = arith.constant 0 : i32
    %dma_wait3A_534 = arith.constant 0 : i32
    %dma_wait3A_535 = tpu.memref_slice %arg4[%add3A_492, %dma_wait3A_533, %dma_wait3A_534] : memref<4096x8x768xf32, #tpu.memory_space<hbm>> -> memref<8x8x768xf32, #tpu.memory_space<hbm>>
    %dma_wait3A_536 = arith.constant 0 : i32
    %dma_wait3A_537 = arith.constant 0 : i32
    %dma_wait3A_538 = arith.constant 0 : i32
    %dma_wait3A_539 = tpu.memref_slice %arg6[%dma_wait3A_524, %dma_wait3A_536, %dma_wait3A_537, %dma_wait3A_538] : memref<2x8x8x768xf32, #tpu.memory_space<vmem>> -> memref<1x8x8x768xf32, #tpu.memory_space<vmem>>
    %dma_wait3A_540 = tpu.memref_squeeze %dma_wait3A_539 : memref<1x8x8x768xf32, #tpu.memory_space<vmem>> -> memref<8x8x768xf32, #tpu.memory_space<vmem>>
    tpu.wait_dma2 semaphore(%arg10 : memref<!tpu.dma_semaphore, #tpu.memory_space<semaphore_mem>>) src(%dma_wait3A_540 : memref<8x8x768xf32, #tpu.memory_space<vmem>>) dst(%dma_wait3A_535 : memref<8x8x768xf32, #tpu.memory_space<hbm>>)
    %dma_start3A_541 = arith.constant 9 : i32
    %dma_start3A_542 = arith.constant 1 : i32
    %dma_start3A_543 = arith.constant 0 : i32
    %dma_start3A_544 = arith.constant 0 : i32
    %dma_start3A_545 = arith.constant 0 : i32
    %dma_start3A_546 = tpu.memref_slice %arg6[%dma_start3A_542, %dma_start3A_543, %dma_start3A_544, %dma_start3A_545] : memref<2x8x8x768xf32, #tpu.memory_space<vmem>> -> memref<1x8x8x768xf32, #tpu.memory_space<vmem>>
    %dma_start3A_547 = tpu.memref_squeeze %dma_start3A_546 : memref<1x8x8x768xf32, #tpu.memory_space<vmem>> -> memref<8x8x768xf32, #tpu.memory_space<vmem>>
    %dma_start3A_548 = arith.constant 0 : i32
    %dma_start3A_549 = tpu.memref_slice %arg5[%dma_start3A_541, %dma_start3A_548] : memref<16x8xi32, #tpu.memory_space<vmem>> -> memref<1x8xi32, #tpu.memory_space<vmem>>
    %dma_start3A_550 = tpu.memref_squeeze %dma_start3A_549 : memref<1x8xi32, #tpu.memory_space<vmem>> -> memref<8xi32, #tpu.memory_space<vmem>>
    %dma_start3A_551 = arith.constant 0 : i32
    %dma_start3A_552 = arith.constant 0 : i32
    %dma_start3A_553 = arith.constant 0 : i32
    %dma_start3A_554 = tpu.memref_slice %arg2[%dma_start3A_551, %dma_start3A_552, %dma_start3A_553] : memref<4096x8x768xf32, #tpu.memory_space<hbm>> -> memref<4096x8x768xf32, #tpu.memory_space<hbm>>
    tpu.enqueue_indirect_dma source(%dma_start3A_554 : memref<4096x8x768xf32, #tpu.memory_space<hbm>>) target(%dma_start3A_547 : memref<8x8x768xf32, #tpu.memory_space<vmem>>) offsets(%dma_start3A_550 : memref<8xi32, #tpu.memory_space<vmem>>) semaphore(%arg8 : memref<!tpu.dma_semaphore, #tpu.memory_space<semaphore_mem>>)
    %add3A_555 = arith.constant 64 : i32
    %add3A_556 = arith.addi %mul3A_2, %add3A_555 : i32
    %dma_start3A_557 = arith.constant 0 : i32
    %dma_start3A_558 = arith.constant 0 : i32
    %dma_start3A_559 = arith.constant 0 : i32
    %dma_start3A_560 = arith.constant 0 : i32
    %dma_start3A_561 = tpu.memref_slice %arg6[%dma_start3A_557, %dma_start3A_558, %dma_start3A_559, %dma_start3A_560] : memref<2x8x8x768xf32, #tpu.memory_space<vmem>> -> memref<1x8x8x768xf32, #tpu.memory_space<vmem>>
    %dma_start3A_562 = tpu.memref_squeeze %dma_start3A_561 : memref<1x8x8x768xf32, #tpu.memory_space<vmem>> -> memref<8x8x768xf32, #tpu.memory_space<vmem>>
    %dma_start3A_563 = arith.constant 0 : i32
    %dma_start3A_564 = arith.constant 0 : i32
    %dma_start3A_565 = tpu.memref_slice %arg4[%add3A_556, %dma_start3A_563, %dma_start3A_564] : memref<4096x8x768xf32, #tpu.memory_space<hbm>> -> memref<8x8x768xf32, #tpu.memory_space<hbm>>
    %dma_start3A_566 = arith.constant 0 : i32
    %dma_start3A_567 = arith.constant 0 : i32
    %dma_start3A_568 = tpu.memref_slice %arg4[%add3A_556, %dma_start3A_566, %dma_start3A_567] : memref<4096x8x768xf32, #tpu.memory_space<hbm>> -> memref<8x8x768xf32, #tpu.memory_space<hbm>>
    %dma_start3A_569 = arith.constant 0 : i32
    %dma_start3A_570 = arith.constant 0 : i32
    %dma_start3A_571 = arith.constant 0 : i32
    %dma_start3A_572 = tpu.memref_slice %arg6[%dma_start3A_557, %dma_start3A_569, %dma_start3A_570, %dma_start3A_571] : memref<2x8x8x768xf32, #tpu.memory_space<vmem>> -> memref<1x8x8x768xf32, #tpu.memory_space<vmem>>
    %dma_start3A_573 = tpu.memref_squeeze %dma_start3A_572 : memref<1x8x8x768xf32, #tpu.memory_space<vmem>> -> memref<8x8x768xf32, #tpu.memory_space<vmem>>
    tpu.enqueue_dma source(%dma_start3A_573 : memref<8x8x768xf32, #tpu.memory_space<vmem>>) target(%dma_start3A_568 : memref<8x8x768xf32, #tpu.memory_space<hbm>>) target_semaphore(%arg9 : memref<!tpu.dma_semaphore, #tpu.memory_space<semaphore_mem>>)
    %dma_wait3A_574 = arith.constant 9 : i32
    %dma_wait3A_575 = arith.constant 1 : i32
    %dma_wait3A_576 = arith.constant 0 : i32
    %dma_wait3A_577 = arith.constant 0 : i32
    %dma_wait3A_578 = arith.constant 0 : i32
    %dma_wait3A_579 = tpu.memref_slice %arg6[%dma_wait3A_575, %dma_wait3A_576, %dma_wait3A_577, %dma_wait3A_578] : memref<2x8x8x768xf32, #tpu.memory_space<vmem>> -> memref<1x8x8x768xf32, #tpu.memory_space<vmem>>
    %dma_wait3A_580 = tpu.memref_squeeze %dma_wait3A_579 : memref<1x8x8x768xf32, #tpu.memory_space<vmem>> -> memref<8x8x768xf32, #tpu.memory_space<vmem>>
    %dma_wait3A_581 = arith.constant 0 : i32
    %dma_wait3A_582 = tpu.memref_slice %arg5[%dma_wait3A_574, %dma_wait3A_581] : memref<16x8xi32, #tpu.memory_space<vmem>> -> memref<1x8xi32, #tpu.memory_space<vmem>>
    %dma_wait3A_583 = tpu.memref_squeeze %dma_wait3A_582 : memref<1x8xi32, #tpu.memory_space<vmem>> -> memref<8xi32, #tpu.memory_space<vmem>>
    %dma_wait3A_584 = arith.constant 0 : i32
    %dma_wait3A_585 = arith.constant 0 : i32
    %dma_wait3A_586 = arith.constant 0 : i32
    %dma_wait3A_587 = tpu.memref_slice %arg2[%dma_wait3A_584, %dma_wait3A_585, %dma_wait3A_586] : memref<4096x8x768xf32, #tpu.memory_space<hbm>> -> memref<4096x8x768xf32, #tpu.memory_space<hbm>>
    tpu.wait_indirect_dma semaphore(%arg8 : memref<!tpu.dma_semaphore, #tpu.memory_space<semaphore_mem>>) src(%dma_wait3A_587 : memref<4096x8x768xf32, #tpu.memory_space<hbm>>) dst(%dma_wait3A_580 : memref<8x8x768xf32, #tpu.memory_space<vmem>>)
    %dma_wait3A_588 = arith.constant 0 : i32
    %dma_wait3A_589 = arith.constant 0 : i32
    %dma_wait3A_590 = arith.constant 0 : i32
    %dma_wait3A_591 = arith.constant 0 : i32
    %dma_wait3A_592 = tpu.memref_slice %arg6[%dma_wait3A_588, %dma_wait3A_589, %dma_wait3A_590, %dma_wait3A_591] : memref<2x8x8x768xf32, #tpu.memory_space<vmem>> -> memref<1x8x8x768xf32, #tpu.memory_space<vmem>>
    %dma_wait3A_593 = tpu.memref_squeeze %dma_wait3A_592 : memref<1x8x8x768xf32, #tpu.memory_space<vmem>> -> memref<8x8x768xf32, #tpu.memory_space<vmem>>
    %dma_wait3A_594 = arith.constant 0 : i32
    %dma_wait3A_595 = arith.constant 0 : i32
    %dma_wait3A_596 = tpu.memref_slice %arg4[%add3A_556, %dma_wait3A_594, %dma_wait3A_595] : memref<4096x8x768xf32, #tpu.memory_space<hbm>> -> memref<8x8x768xf32, #tpu.memory_space<hbm>>
    %dma_wait3A_597 = arith.constant 0 : i32
    %dma_wait3A_598 = arith.constant 0 : i32
    %dma_wait3A_599 = tpu.memref_slice %arg4[%add3A_556, %dma_wait3A_597, %dma_wait3A_598] : memref<4096x8x768xf32, #tpu.memory_space<hbm>> -> memref<8x8x768xf32, #tpu.memory_space<hbm>>
    %dma_wait3A_600 = arith.constant 0 : i32
    %dma_wait3A_601 = arith.constant 0 : i32
    %dma_wait3A_602 = arith.constant 0 : i32
    %dma_wait3A_603 = tpu.memref_slice %arg6[%dma_wait3A_588, %dma_wait3A_600, %dma_wait3A_601, %dma_wait3A_602] : memref<2x8x8x768xf32, #tpu.memory_space<vmem>> -> memref<1x8x8x768xf32, #tpu.memory_space<vmem>>
    %dma_wait3A_604 = tpu.memref_squeeze %dma_wait3A_603 : memref<1x8x8x768xf32, #tpu.memory_space<vmem>> -> memref<8x8x768xf32, #tpu.memory_space<vmem>>
    tpu.wait_dma2 semaphore(%arg9 : memref<!tpu.dma_semaphore, #tpu.memory_space<semaphore_mem>>) src(%dma_wait3A_604 : memref<8x8x768xf32, #tpu.memory_space<vmem>>) dst(%dma_wait3A_599 : memref<8x8x768xf32, #tpu.memory_space<hbm>>)
    %dma_start3A_605 = arith.constant 10 : i32
    %dma_start3A_606 = arith.constant 0 : i32
    %dma_start3A_607 = arith.constant 0 : i32
    %dma_start3A_608 = arith.constant 0 : i32
    %dma_start3A_609 = arith.constant 0 : i32
    %dma_start3A_610 = tpu.memref_slice %arg6[%dma_start3A_606, %dma_start3A_607, %dma_start3A_608, %dma_start3A_609] : memref<2x8x8x768xf32, #tpu.memory_space<vmem>> -> memref<1x8x8x768xf32, #tpu.memory_space<vmem>>
    %dma_start3A_611 = tpu.memref_squeeze %dma_start3A_610 : memref<1x8x8x768xf32, #tpu.memory_space<vmem>> -> memref<8x8x768xf32, #tpu.memory_space<vmem>>
    %dma_start3A_612 = arith.constant 0 : i32
    %dma_start3A_613 = tpu.memref_slice %arg5[%dma_start3A_605, %dma_start3A_612] : memref<16x8xi32, #tpu.memory_space<vmem>> -> memref<1x8xi32, #tpu.memory_space<vmem>>
    %dma_start3A_614 = tpu.memref_squeeze %dma_start3A_613 : memref<1x8xi32, #tpu.memory_space<vmem>> -> memref<8xi32, #tpu.memory_space<vmem>>
    %dma_start3A_615 = arith.constant 0 : i32
    %dma_start3A_616 = arith.constant 0 : i32
    %dma_start3A_617 = arith.constant 0 : i32
    %dma_start3A_618 = tpu.memref_slice %arg2[%dma_start3A_615, %dma_start3A_616, %dma_start3A_617] : memref<4096x8x768xf32, #tpu.memory_space<hbm>> -> memref<4096x8x768xf32, #tpu.memory_space<hbm>>
    tpu.enqueue_indirect_dma source(%dma_start3A_618 : memref<4096x8x768xf32, #tpu.memory_space<hbm>>) target(%dma_start3A_611 : memref<8x8x768xf32, #tpu.memory_space<vmem>>) offsets(%dma_start3A_614 : memref<8xi32, #tpu.memory_space<vmem>>) semaphore(%arg7 : memref<!tpu.dma_semaphore, #tpu.memory_space<semaphore_mem>>)
    %add3A_619 = arith.constant 72 : i32
    %add3A_620 = arith.addi %mul3A_2, %add3A_619 : i32
    %dma_start3A_621 = arith.constant 1 : i32
    %dma_start3A_622 = arith.constant 0 : i32
    %dma_start3A_623 = arith.constant 0 : i32
    %dma_start3A_624 = arith.constant 0 : i32
    %dma_start3A_625 = tpu.memref_slice %arg6[%dma_start3A_621, %dma_start3A_622, %dma_start3A_623, %dma_start3A_624] : memref<2x8x8x768xf32, #tpu.memory_space<vmem>> -> memref<1x8x8x768xf32, #tpu.memory_space<vmem>>
    %dma_start3A_626 = tpu.memref_squeeze %dma_start3A_625 : memref<1x8x8x768xf32, #tpu.memory_space<vmem>> -> memref<8x8x768xf32, #tpu.memory_space<vmem>>
    %dma_start3A_627 = arith.constant 0 : i32
    %dma_start3A_628 = arith.constant 0 : i32
    %dma_start3A_629 = tpu.memref_slice %arg4[%add3A_620, %dma_start3A_627, %dma_start3A_628] : memref<4096x8x768xf32, #tpu.memory_space<hbm>> -> memref<8x8x768xf32, #tpu.memory_space<hbm>>
    %dma_start3A_630 = arith.constant 0 : i32
    %dma_start3A_631 = arith.constant 0 : i32
    %dma_start3A_632 = tpu.memref_slice %arg4[%add3A_620, %dma_start3A_630, %dma_start3A_631] : memref<4096x8x768xf32, #tpu.memory_space<hbm>> -> memref<8x8x768xf32, #tpu.memory_space<hbm>>
    %dma_start3A_633 = arith.constant 0 : i32
    %dma_start3A_634 = arith.constant 0 : i32
    %dma_start3A_635 = arith.constant 0 : i32
    %dma_start3A_636 = tpu.memref_slice %arg6[%dma_start3A_621, %dma_start3A_633, %dma_start3A_634, %dma_start3A_635] : memref<2x8x8x768xf32, #tpu.memory_space<vmem>> -> memref<1x8x8x768xf32, #tpu.memory_space<vmem>>
    %dma_start3A_637 = tpu.memref_squeeze %dma_start3A_636 : memref<1x8x8x768xf32, #tpu.memory_space<vmem>> -> memref<8x8x768xf32, #tpu.memory_space<vmem>>
    tpu.enqueue_dma source(%dma_start3A_637 : memref<8x8x768xf32, #tpu.memory_space<vmem>>) target(%dma_start3A_632 : memref<8x8x768xf32, #tpu.memory_space<hbm>>) target_semaphore(%arg10 : memref<!tpu.dma_semaphore, #tpu.memory_space<semaphore_mem>>)
    %dma_wait3A_638 = arith.constant 10 : i32
    %dma_wait3A_639 = arith.constant 0 : i32
    %dma_wait3A_640 = arith.constant 0 : i32
    %dma_wait3A_641 = arith.constant 0 : i32
    %dma_wait3A_642 = arith.constant 0 : i32
    %dma_wait3A_643 = tpu.memref_slice %arg6[%dma_wait3A_639, %dma_wait3A_640, %dma_wait3A_641, %dma_wait3A_642] : memref<2x8x8x768xf32, #tpu.memory_space<vmem>> -> memref<1x8x8x768xf32, #tpu.memory_space<vmem>>
    %dma_wait3A_644 = tpu.memref_squeeze %dma_wait3A_643 : memref<1x8x8x768xf32, #tpu.memory_space<vmem>> -> memref<8x8x768xf32, #tpu.memory_space<vmem>>
    %dma_wait3A_645 = arith.constant 0 : i32
    %dma_wait3A_646 = tpu.memref_slice %arg5[%dma_wait3A_638, %dma_wait3A_645] : memref<16x8xi32, #tpu.memory_space<vmem>> -> memref<1x8xi32, #tpu.memory_space<vmem>>
    %dma_wait3A_647 = tpu.memref_squeeze %dma_wait3A_646 : memref<1x8xi32, #tpu.memory_space<vmem>> -> memref<8xi32, #tpu.memory_space<vmem>>
    %dma_wait3A_648 = arith.constant 0 : i32
    %dma_wait3A_649 = arith.constant 0 : i32
    %dma_wait3A_650 = arith.constant 0 : i32
    %dma_wait3A_651 = tpu.memref_slice %arg2[%dma_wait3A_648, %dma_wait3A_649, %dma_wait3A_650] : memref<4096x8x768xf32, #tpu.memory_space<hbm>> -> memref<4096x8x768xf32, #tpu.memory_space<hbm>>
    tpu.wait_indirect_dma semaphore(%arg7 : memref<!tpu.dma_semaphore, #tpu.memory_space<semaphore_mem>>) src(%dma_wait3A_651 : memref<4096x8x768xf32, #tpu.memory_space<hbm>>) dst(%dma_wait3A_644 : memref<8x8x768xf32, #tpu.memory_space<vmem>>)
    %dma_wait3A_652 = arith.constant 1 : i32
    %dma_wait3A_653 = arith.constant 0 : i32
    %dma_wait3A_654 = arith.constant 0 : i32
    %dma_wait3A_655 = arith.constant 0 : i32
    %dma_wait3A_656 = tpu.memref_slice %arg6[%dma_wait3A_652, %dma_wait3A_653, %dma_wait3A_654, %dma_wait3A_655] : memref<2x8x8x768xf32, #tpu.memory_space<vmem>> -> memref<1x8x8x768xf32, #tpu.memory_space<vmem>>
    %dma_wait3A_657 = tpu.memref_squeeze %dma_wait3A_656 : memref<1x8x8x768xf32, #tpu.memory_space<vmem>> -> memref<8x8x768xf32, #tpu.memory_space<vmem>>
    %dma_wait3A_658 = arith.constant 0 : i32
    %dma_wait3A_659 = arith.constant 0 : i32
    %dma_wait3A_660 = tpu.memref_slice %arg4[%add3A_620, %dma_wait3A_658, %dma_wait3A_659] : memref<4096x8x768xf32, #tpu.memory_space<hbm>> -> memref<8x8x768xf32, #tpu.memory_space<hbm>>
    %dma_wait3A_661 = arith.constant 0 : i32
    %dma_wait3A_662 = arith.constant 0 : i32
    %dma_wait3A_663 = tpu.memref_slice %arg4[%add3A_620, %dma_wait3A_661, %dma_wait3A_662] : memref<4096x8x768xf32, #tpu.memory_space<hbm>> -> memref<8x8x768xf32, #tpu.memory_space<hbm>>
    %dma_wait3A_664 = arith.constant 0 : i32
    %dma_wait3A_665 = arith.constant 0 : i32
    %dma_wait3A_666 = arith.constant 0 : i32
    %dma_wait3A_667 = tpu.memref_slice %arg6[%dma_wait3A_652, %dma_wait3A_664, %dma_wait3A_665, %dma_wait3A_666] : memref<2x8x8x768xf32, #tpu.memory_space<vmem>> -> memref<1x8x8x768xf32, #tpu.memory_space<vmem>>
    %dma_wait3A_668 = tpu.memref_squeeze %dma_wait3A_667 : memref<1x8x8x768xf32, #tpu.memory_space<vmem>> -> memref<8x8x768xf32, #tpu.memory_space<vmem>>
    tpu.wait_dma2 semaphore(%arg10 : memref<!tpu.dma_semaphore, #tpu.memory_space<semaphore_mem>>) src(%dma_wait3A_668 : memref<8x8x768xf32, #tpu.memory_space<vmem>>) dst(%dma_wait3A_663 : memref<8x8x768xf32, #tpu.memory_space<hbm>>)
    %dma_start3A_669 = arith.constant 11 : i32
    %dma_start3A_670 = arith.constant 1 : i32
    %dma_start3A_671 = arith.constant 0 : i32
    %dma_start3A_672 = arith.constant 0 : i32
    %dma_start3A_673 = arith.constant 0 : i32
    %dma_start3A_674 = tpu.memref_slice %arg6[%dma_start3A_670, %dma_start3A_671, %dma_start3A_672, %dma_start3A_673] : memref<2x8x8x768xf32, #tpu.memory_space<vmem>> -> memref<1x8x8x768xf32, #tpu.memory_space<vmem>>
    %dma_start3A_675 = tpu.memref_squeeze %dma_start3A_674 : memref<1x8x8x768xf32, #tpu.memory_space<vmem>> -> memref<8x8x768xf32, #tpu.memory_space<vmem>>
    %dma_start3A_676 = arith.constant 0 : i32
    %dma_start3A_677 = tpu.memref_slice %arg5[%dma_start3A_669, %dma_start3A_676] : memref<16x8xi32, #tpu.memory_space<vmem>> -> memref<1x8xi32, #tpu.memory_space<vmem>>
    %dma_start3A_678 = tpu.memref_squeeze %dma_start3A_677 : memref<1x8xi32, #tpu.memory_space<vmem>> -> memref<8xi32, #tpu.memory_space<vmem>>
    %dma_start3A_679 = arith.constant 0 : i32
    %dma_start3A_680 = arith.constant 0 : i32
    %dma_start3A_681 = arith.constant 0 : i32
    %dma_start3A_682 = tpu.memref_slice %arg2[%dma_start3A_679, %dma_start3A_680, %dma_start3A_681] : memref<4096x8x768xf32, #tpu.memory_space<hbm>> -> memref<4096x8x768xf32, #tpu.memory_space<hbm>>
    tpu.enqueue_indirect_dma source(%dma_start3A_682 : memref<4096x8x768xf32, #tpu.memory_space<hbm>>) target(%dma_start3A_675 : memref<8x8x768xf32, #tpu.memory_space<vmem>>) offsets(%dma_start3A_678 : memref<8xi32, #tpu.memory_space<vmem>>) semaphore(%arg8 : memref<!tpu.dma_semaphore, #tpu.memory_space<semaphore_mem>>)
    %add3A_683 = arith.constant 80 : i32
    %add3A_684 = arith.addi %mul3A_2, %add3A_683 : i32
    %dma_start3A_685 = arith.constant 0 : i32
    %dma_start3A_686 = arith.constant 0 : i32
    %dma_start3A_687 = arith.constant 0 : i32
    %dma_start3A_688 = arith.constant 0 : i32
    %dma_start3A_689 = tpu.memref_slice %arg6[%dma_start3A_685, %dma_start3A_686, %dma_start3A_687, %dma_start3A_688] : memref<2x8x8x768xf32, #tpu.memory_space<vmem>> -> memref<1x8x8x768xf32, #tpu.memory_space<vmem>>
    %dma_start3A_690 = tpu.memref_squeeze %dma_start3A_689 : memref<1x8x8x768xf32, #tpu.memory_space<vmem>> -> memref<8x8x768xf32, #tpu.memory_space<vmem>>
    %dma_start3A_691 = arith.constant 0 : i32
    %dma_start3A_692 = arith.constant 0 : i32
    %dma_start3A_693 = tpu.memref_slice %arg4[%add3A_684, %dma_start3A_691, %dma_start3A_692] : memref<4096x8x768xf32, #tpu.memory_space<hbm>> -> memref<8x8x768xf32, #tpu.memory_space<hbm>>
    %dma_start3A_694 = arith.constant 0 : i32
    %dma_start3A_695 = arith.constant 0 : i32
    %dma_start3A_696 = tpu.memref_slice %arg4[%add3A_684, %dma_start3A_694, %dma_start3A_695] : memref<4096x8x768xf32, #tpu.memory_space<hbm>> -> memref<8x8x768xf32, #tpu.memory_space<hbm>>
    %dma_start3A_697 = arith.constant 0 : i32
    %dma_start3A_698 = arith.constant 0 : i32
    %dma_start3A_699 = arith.constant 0 : i32
    %dma_start3A_700 = tpu.memref_slice %arg6[%dma_start3A_685, %dma_start3A_697, %dma_start3A_698, %dma_start3A_699] : memref<2x8x8x768xf32, #tpu.memory_space<vmem>> -> memref<1x8x8x768xf32, #tpu.memory_space<vmem>>
    %dma_start3A_701 = tpu.memref_squeeze %dma_start3A_700 : memref<1x8x8x768xf32, #tpu.memory_space<vmem>> -> memref<8x8x768xf32, #tpu.memory_space<vmem>>
    tpu.enqueue_dma source(%dma_start3A_701 : memref<8x8x768xf32, #tpu.memory_space<vmem>>) target(%dma_start3A_696 : memref<8x8x768xf32, #tpu.memory_space<hbm>>) target_semaphore(%arg9 : memref<!tpu.dma_semaphore, #tpu.memory_space<semaphore_mem>>)
    %dma_wait3A_702 = arith.constant 11 : i32
    %dma_wait3A_703 = arith.constant 1 : i32
    %dma_wait3A_704 = arith.constant 0 : i32
    %dma_wait3A_705 = arith.constant 0 : i32
    %dma_wait3A_706 = arith.constant 0 : i32
    %dma_wait3A_707 = tpu.memref_slice %arg6[%dma_wait3A_703, %dma_wait3A_704, %dma_wait3A_705, %dma_wait3A_706] : memref<2x8x8x768xf32, #tpu.memory_space<vmem>> -> memref<1x8x8x768xf32, #tpu.memory_space<vmem>>
    %dma_wait3A_708 = tpu.memref_squeeze %dma_wait3A_707 : memref<1x8x8x768xf32, #tpu.memory_space<vmem>> -> memref<8x8x768xf32, #tpu.memory_space<vmem>>
    %dma_wait3A_709 = arith.constant 0 : i32
    %dma_wait3A_710 = tpu.memref_slice %arg5[%dma_wait3A_702, %dma_wait3A_709] : memref<16x8xi32, #tpu.memory_space<vmem>> -> memref<1x8xi32, #tpu.memory_space<vmem>>
    %dma_wait3A_711 = tpu.memref_squeeze %dma_wait3A_710 : memref<1x8xi32, #tpu.memory_space<vmem>> -> memref<8xi32, #tpu.memory_space<vmem>>
    %dma_wait3A_712 = arith.constant 0 : i32
    %dma_wait3A_713 = arith.constant 0 : i32
    %dma_wait3A_714 = arith.constant 0 : i32
    %dma_wait3A_715 = tpu.memref_slice %arg2[%dma_wait3A_712, %dma_wait3A_713, %dma_wait3A_714] : memref<4096x8x768xf32, #tpu.memory_space<hbm>> -> memref<4096x8x768xf32, #tpu.memory_space<hbm>>
    tpu.wait_indirect_dma semaphore(%arg8 : memref<!tpu.dma_semaphore, #tpu.memory_space<semaphore_mem>>) src(%dma_wait3A_715 : memref<4096x8x768xf32, #tpu.memory_space<hbm>>) dst(%dma_wait3A_708 : memref<8x8x768xf32, #tpu.memory_space<vmem>>)
    %dma_wait3A_716 = arith.constant 0 : i32
    %dma_wait3A_717 = arith.constant 0 : i32
    %dma_wait3A_718 = arith.constant 0 : i32
    %dma_wait3A_719 = arith.constant 0 : i32
    %dma_wait3A_720 = tpu.memref_slice %arg6[%dma_wait3A_716, %dma_wait3A_717, %dma_wait3A_718, %dma_wait3A_719] : memref<2x8x8x768xf32, #tpu.memory_space<vmem>> -> memref<1x8x8x768xf32, #tpu.memory_space<vmem>>
    %dma_wait3A_721 = tpu.memref_squeeze %dma_wait3A_720 : memref<1x8x8x768xf32, #tpu.memory_space<vmem>> -> memref<8x8x768xf32, #tpu.memory_space<vmem>>
    %dma_wait3A_722 = arith.constant 0 : i32
    %dma_wait3A_723 = arith.constant 0 : i32
    %dma_wait3A_724 = tpu.memref_slice %arg4[%add3A_684, %dma_wait3A_722, %dma_wait3A_723] : memref<4096x8x768xf32, #tpu.memory_space<hbm>> -> memref<8x8x768xf32, #tpu.memory_space<hbm>>
    %dma_wait3A_725 = arith.constant 0 : i32
    %dma_wait3A_726 = arith.constant 0 : i32
    %dma_wait3A_727 = tpu.memref_slice %arg4[%add3A_684, %dma_wait3A_725, %dma_wait3A_726] : memref<4096x8x768xf32, #tpu.memory_space<hbm>> -> memref<8x8x768xf32, #tpu.memory_space<hbm>>
    %dma_wait3A_728 = arith.constant 0 : i32
    %dma_wait3A_729 = arith.constant 0 : i32
    %dma_wait3A_730 = arith.constant 0 : i32
    %dma_wait3A_731 = tpu.memref_slice %arg6[%dma_wait3A_716, %dma_wait3A_728, %dma_wait3A_729, %dma_wait3A_730] : memref<2x8x8x768xf32, #tpu.memory_space<vmem>> -> memref<1x8x8x768xf32, #tpu.memory_space<vmem>>
    %dma_wait3A_732 = tpu.memref_squeeze %dma_wait3A_731 : memref<1x8x8x768xf32, #tpu.memory_space<vmem>> -> memref<8x8x768xf32, #tpu.memory_space<vmem>>
    tpu.wait_dma2 semaphore(%arg9 : memref<!tpu.dma_semaphore, #tpu.memory_space<semaphore_mem>>) src(%dma_wait3A_732 : memref<8x8x768xf32, #tpu.memory_space<vmem>>) dst(%dma_wait3A_727 : memref<8x8x768xf32, #tpu.memory_space<hbm>>)
    %dma_start3A_733 = arith.constant 12 : i32
    %dma_start3A_734 = arith.constant 0 : i32
    %dma_start3A_735 = arith.constant 0 : i32
    %dma_start3A_736 = arith.constant 0 : i32
    %dma_start3A_737 = arith.constant 0 : i32
    %dma_start3A_738 = tpu.memref_slice %arg6[%dma_start3A_734, %dma_start3A_735, %dma_start3A_736, %dma_start3A_737] : memref<2x8x8x768xf32, #tpu.memory_space<vmem>> -> memref<1x8x8x768xf32, #tpu.memory_space<vmem>>
    %dma_start3A_739 = tpu.memref_squeeze %dma_start3A_738 : memref<1x8x8x768xf32, #tpu.memory_space<vmem>> -> memref<8x8x768xf32, #tpu.memory_space<vmem>>
    %dma_start3A_740 = arith.constant 0 : i32
    %dma_start3A_741 = tpu.memref_slice %arg5[%dma_start3A_733, %dma_start3A_740] : memref<16x8xi32, #tpu.memory_space<vmem>> -> memref<1x8xi32, #tpu.memory_space<vmem>>
    %dma_start3A_742 = tpu.memref_squeeze %dma_start3A_741 : memref<1x8xi32, #tpu.memory_space<vmem>> -> memref<8xi32, #tpu.memory_space<vmem>>
    %dma_start3A_743 = arith.constant 0 : i32
    %dma_start3A_744 = arith.constant 0 : i32
    %dma_start3A_745 = arith.constant 0 : i32
    %dma_start3A_746 = tpu.memref_slice %arg2[%dma_start3A_743, %dma_start3A_744, %dma_start3A_745] : memref<4096x8x768xf32, #tpu.memory_space<hbm>> -> memref<4096x8x768xf32, #tpu.memory_space<hbm>>
    tpu.enqueue_indirect_dma source(%dma_start3A_746 : memref<4096x8x768xf32, #tpu.memory_space<hbm>>) target(%dma_start3A_739 : memref<8x8x768xf32, #tpu.memory_space<vmem>>) offsets(%dma_start3A_742 : memref<8xi32, #tpu.memory_space<vmem>>) semaphore(%arg7 : memref<!tpu.dma_semaphore, #tpu.memory_space<semaphore_mem>>)
    %add3A_747 = arith.constant 88 : i32
    %add3A_748 = arith.addi %mul3A_2, %add3A_747 : i32
    %dma_start3A_749 = arith.constant 1 : i32
    %dma_start3A_750 = arith.constant 0 : i32
    %dma_start3A_751 = arith.constant 0 : i32
    %dma_start3A_752 = arith.constant 0 : i32
    %dma_start3A_753 = tpu.memref_slice %arg6[%dma_start3A_749, %dma_start3A_750, %dma_start3A_751, %dma_start3A_752] : memref<2x8x8x768xf32, #tpu.memory_space<vmem>> -> memref<1x8x8x768xf32, #tpu.memory_space<vmem>>
    %dma_start3A_754 = tpu.memref_squeeze %dma_start3A_753 : memref<1x8x8x768xf32, #tpu.memory_space<vmem>> -> memref<8x8x768xf32, #tpu.memory_space<vmem>>
    %dma_start3A_755 = arith.constant 0 : i32
    %dma_start3A_756 = arith.constant 0 : i32
    %dma_start3A_757 = tpu.memref_slice %arg4[%add3A_748, %dma_start3A_755, %dma_start3A_756] : memref<4096x8x768xf32, #tpu.memory_space<hbm>> -> memref<8x8x768xf32, #tpu.memory_space<hbm>>
    %dma_start3A_758 = arith.constant 0 : i32
    %dma_start3A_759 = arith.constant 0 : i32
    %dma_start3A_760 = tpu.memref_slice %arg4[%add3A_748, %dma_start3A_758, %dma_start3A_759] : memref<4096x8x768xf32, #tpu.memory_space<hbm>> -> memref<8x8x768xf32, #tpu.memory_space<hbm>>
    %dma_start3A_761 = arith.constant 0 : i32
    %dma_start3A_762 = arith.constant 0 : i32
    %dma_start3A_763 = arith.constant 0 : i32
    %dma_start3A_764 = tpu.memref_slice %arg6[%dma_start3A_749, %dma_start3A_761, %dma_start3A_762, %dma_start3A_763] : memref<2x8x8x768xf32, #tpu.memory_space<vmem>> -> memref<1x8x8x768xf32, #tpu.memory_space<vmem>>
    %dma_start3A_765 = tpu.memref_squeeze %dma_start3A_764 : memref<1x8x8x768xf32, #tpu.memory_space<vmem>> -> memref<8x8x768xf32, #tpu.memory_space<vmem>>
    tpu.enqueue_dma source(%dma_start3A_765 : memref<8x8x768xf32, #tpu.memory_space<vmem>>) target(%dma_start3A_760 : memref<8x8x768xf32, #tpu.memory_space<hbm>>) target_semaphore(%arg10 : memref<!tpu.dma_semaphore, #tpu.memory_space<semaphore_mem>>)
    %dma_wait3A_766 = arith.constant 12 : i32
    %dma_wait3A_767 = arith.constant 0 : i32
    %dma_wait3A_768 = arith.constant 0 : i32
    %dma_wait3A_769 = arith.constant 0 : i32
    %dma_wait3A_770 = arith.constant 0 : i32
    %dma_wait3A_771 = tpu.memref_slice %arg6[%dma_wait3A_767, %dma_wait3A_768, %dma_wait3A_769, %dma_wait3A_770] : memref<2x8x8x768xf32, #tpu.memory_space<vmem>> -> memref<1x8x8x768xf32, #tpu.memory_space<vmem>>
    %dma_wait3A_772 = tpu.memref_squeeze %dma_wait3A_771 : memref<1x8x8x768xf32, #tpu.memory_space<vmem>> -> memref<8x8x768xf32, #tpu.memory_space<vmem>>
    %dma_wait3A_773 = arith.constant 0 : i32
    %dma_wait3A_774 = tpu.memref_slice %arg5[%dma_wait3A_766, %dma_wait3A_773] : memref<16x8xi32, #tpu.memory_space<vmem>> -> memref<1x8xi32, #tpu.memory_space<vmem>>
    %dma_wait3A_775 = tpu.memref_squeeze %dma_wait3A_774 : memref<1x8xi32, #tpu.memory_space<vmem>> -> memref<8xi32, #tpu.memory_space<vmem>>
    %dma_wait3A_776 = arith.constant 0 : i32
    %dma_wait3A_777 = arith.constant 0 : i32
    %dma_wait3A_778 = arith.constant 0 : i32
    %dma_wait3A_779 = tpu.memref_slice %arg2[%dma_wait3A_776, %dma_wait3A_777, %dma_wait3A_778] : memref<4096x8x768xf32, #tpu.memory_space<hbm>> -> memref<4096x8x768xf32, #tpu.memory_space<hbm>>
    tpu.wait_indirect_dma semaphore(%arg7 : memref<!tpu.dma_semaphore, #tpu.memory_space<semaphore_mem>>) src(%dma_wait3A_779 : memref<4096x8x768xf32, #tpu.memory_space<hbm>>) dst(%dma_wait3A_772 : memref<8x8x768xf32, #tpu.memory_space<vmem>>)
    %dma_wait3A_780 = arith.constant 1 : i32
    %dma_wait3A_781 = arith.constant 0 : i32
    %dma_wait3A_782 = arith.constant 0 : i32
    %dma_wait3A_783 = arith.constant 0 : i32
    %dma_wait3A_784 = tpu.memref_slice %arg6[%dma_wait3A_780, %dma_wait3A_781, %dma_wait3A_782, %dma_wait3A_783] : memref<2x8x8x768xf32, #tpu.memory_space<vmem>> -> memref<1x8x8x768xf32, #tpu.memory_space<vmem>>
    %dma_wait3A_785 = tpu.memref_squeeze %dma_wait3A_784 : memref<1x8x8x768xf32, #tpu.memory_space<vmem>> -> memref<8x8x768xf32, #tpu.memory_space<vmem>>
    %dma_wait3A_786 = arith.constant 0 : i32
    %dma_wait3A_787 = arith.constant 0 : i32
    %dma_wait3A_788 = tpu.memref_slice %arg4[%add3A_748, %dma_wait3A_786, %dma_wait3A_787] : memref<4096x8x768xf32, #tpu.memory_space<hbm>> -> memref<8x8x768xf32, #tpu.memory_space<hbm>>
    %dma_wait3A_789 = arith.constant 0 : i32
    %dma_wait3A_790 = arith.constant 0 : i32
    %dma_wait3A_791 = tpu.memref_slice %arg4[%add3A_748, %dma_wait3A_789, %dma_wait3A_790] : memref<4096x8x768xf32, #tpu.memory_space<hbm>> -> memref<8x8x768xf32, #tpu.memory_space<hbm>>
    %dma_wait3A_792 = arith.constant 0 : i32
    %dma_wait3A_793 = arith.constant 0 : i32
    %dma_wait3A_794 = arith.constant 0 : i32
    %dma_wait3A_795 = tpu.memref_slice %arg6[%dma_wait3A_780, %dma_wait3A_792, %dma_wait3A_793, %dma_wait3A_794] : memref<2x8x8x768xf32, #tpu.memory_space<vmem>> -> memref<1x8x8x768xf32, #tpu.memory_space<vmem>>
    %dma_wait3A_796 = tpu.memref_squeeze %dma_wait3A_795 : memref<1x8x8x768xf32, #tpu.memory_space<vmem>> -> memref<8x8x768xf32, #tpu.memory_space<vmem>>
    tpu.wait_dma2 semaphore(%arg10 : memref<!tpu.dma_semaphore, #tpu.memory_space<semaphore_mem>>) src(%dma_wait3A_796 : memref<8x8x768xf32, #tpu.memory_space<vmem>>) dst(%dma_wait3A_791 : memref<8x8x768xf32, #tpu.memory_space<hbm>>)
    %dma_start3A_797 = arith.constant 13 : i32
    %dma_start3A_798 = arith.constant 1 : i32
    %dma_start3A_799 = arith.constant 0 : i32
    %dma_start3A_800 = arith.constant 0 : i32
    %dma_start3A_801 = arith.constant 0 : i32
    %dma_start3A_802 = tpu.memref_slice %arg6[%dma_start3A_798, %dma_start3A_799, %dma_start3A_800, %dma_start3A_801] : memref<2x8x8x768xf32, #tpu.memory_space<vmem>> -> memref<1x8x8x768xf32, #tpu.memory_space<vmem>>
    %dma_start3A_803 = tpu.memref_squeeze %dma_start3A_802 : memref<1x8x8x768xf32, #tpu.memory_space<vmem>> -> memref<8x8x768xf32, #tpu.memory_space<vmem>>
    %dma_start3A_804 = arith.constant 0 : i32
    %dma_start3A_805 = tpu.memref_slice %arg5[%dma_start3A_797, %dma_start3A_804] : memref<16x8xi32, #tpu.memory_space<vmem>> -> memref<1x8xi32, #tpu.memory_space<vmem>>
    %dma_start3A_806 = tpu.memref_squeeze %dma_start3A_805 : memref<1x8xi32, #tpu.memory_space<vmem>> -> memref<8xi32, #tpu.memory_space<vmem>>
    %dma_start3A_807 = arith.constant 0 : i32
    %dma_start3A_808 = arith.constant 0 : i32
    %dma_start3A_809 = arith.constant 0 : i32
    %dma_start3A_810 = tpu.memref_slice %arg2[%dma_start3A_807, %dma_start3A_808, %dma_start3A_809] : memref<4096x8x768xf32, #tpu.memory_space<hbm>> -> memref<4096x8x768xf32, #tpu.memory_space<hbm>>
    tpu.enqueue_indirect_dma source(%dma_start3A_810 : memref<4096x8x768xf32, #tpu.memory_space<hbm>>) target(%dma_start3A_803 : memref<8x8x768xf32, #tpu.memory_space<vmem>>) offsets(%dma_start3A_806 : memref<8xi32, #tpu.memory_space<vmem>>) semaphore(%arg8 : memref<!tpu.dma_semaphore, #tpu.memory_space<semaphore_mem>>)
    %add3A_811 = arith.constant 96 : i32
    %add3A_812 = arith.addi %mul3A_2, %add3A_811 : i32
    %dma_start3A_813 = arith.constant 0 : i32
    %dma_start3A_814 = arith.constant 0 : i32
    %dma_start3A_815 = arith.constant 0 : i32
    %dma_start3A_816 = arith.constant 0 : i32
    %dma_start3A_817 = tpu.memref_slice %arg6[%dma_start3A_813, %dma_start3A_814, %dma_start3A_815, %dma_start3A_816] : memref<2x8x8x768xf32, #tpu.memory_space<vmem>> -> memref<1x8x8x768xf32, #tpu.memory_space<vmem>>
    %dma_start3A_818 = tpu.memref_squeeze %dma_start3A_817 : memref<1x8x8x768xf32, #tpu.memory_space<vmem>> -> memref<8x8x768xf32, #tpu.memory_space<vmem>>
    %dma_start3A_819 = arith.constant 0 : i32
    %dma_start3A_820 = arith.constant 0 : i32
    %dma_start3A_821 = tpu.memref_slice %arg4[%add3A_812, %dma_start3A_819, %dma_start3A_820] : memref<4096x8x768xf32, #tpu.memory_space<hbm>> -> memref<8x8x768xf32, #tpu.memory_space<hbm>>
    %dma_start3A_822 = arith.constant 0 : i32
    %dma_start3A_823 = arith.constant 0 : i32
    %dma_start3A_824 = tpu.memref_slice %arg4[%add3A_812, %dma_start3A_822, %dma_start3A_823] : memref<4096x8x768xf32, #tpu.memory_space<hbm>> -> memref<8x8x768xf32, #tpu.memory_space<hbm>>
    %dma_start3A_825 = arith.constant 0 : i32
    %dma_start3A_826 = arith.constant 0 : i32
    %dma_start3A_827 = arith.constant 0 : i32
    %dma_start3A_828 = tpu.memref_slice %arg6[%dma_start3A_813, %dma_start3A_825, %dma_start3A_826, %dma_start3A_827] : memref<2x8x8x768xf32, #tpu.memory_space<vmem>> -> memref<1x8x8x768xf32, #tpu.memory_space<vmem>>
    %dma_start3A_829 = tpu.memref_squeeze %dma_start3A_828 : memref<1x8x8x768xf32, #tpu.memory_space<vmem>> -> memref<8x8x768xf32, #tpu.memory_space<vmem>>
    tpu.enqueue_dma source(%dma_start3A_829 : memref<8x8x768xf32, #tpu.memory_space<vmem>>) target(%dma_start3A_824 : memref<8x8x768xf32, #tpu.memory_space<hbm>>) target_semaphore(%arg9 : memref<!tpu.dma_semaphore, #tpu.memory_space<semaphore_mem>>)
    %dma_wait3A_830 = arith.constant 13 : i32
    %dma_wait3A_831 = arith.constant 1 : i32
    %dma_wait3A_832 = arith.constant 0 : i32
    %dma_wait3A_833 = arith.constant 0 : i32
    %dma_wait3A_834 = arith.constant 0 : i32
    %dma_wait3A_835 = tpu.memref_slice %arg6[%dma_wait3A_831, %dma_wait3A_832, %dma_wait3A_833, %dma_wait3A_834] : memref<2x8x8x768xf32, #tpu.memory_space<vmem>> -> memref<1x8x8x768xf32, #tpu.memory_space<vmem>>
    %dma_wait3A_836 = tpu.memref_squeeze %dma_wait3A_835 : memref<1x8x8x768xf32, #tpu.memory_space<vmem>> -> memref<8x8x768xf32, #tpu.memory_space<vmem>>
    %dma_wait3A_837 = arith.constant 0 : i32
    %dma_wait3A_838 = tpu.memref_slice %arg5[%dma_wait3A_830, %dma_wait3A_837] : memref<16x8xi32, #tpu.memory_space<vmem>> -> memref<1x8xi32, #tpu.memory_space<vmem>>
    %dma_wait3A_839 = tpu.memref_squeeze %dma_wait3A_838 : memref<1x8xi32, #tpu.memory_space<vmem>> -> memref<8xi32, #tpu.memory_space<vmem>>
    %dma_wait3A_840 = arith.constant 0 : i32
    %dma_wait3A_841 = arith.constant 0 : i32
    %dma_wait3A_842 = arith.constant 0 : i32
    %dma_wait3A_843 = tpu.memref_slice %arg2[%dma_wait3A_840, %dma_wait3A_841, %dma_wait3A_842] : memref<4096x8x768xf32, #tpu.memory_space<hbm>> -> memref<4096x8x768xf32, #tpu.memory_space<hbm>>
    tpu.wait_indirect_dma semaphore(%arg8 : memref<!tpu.dma_semaphore, #tpu.memory_space<semaphore_mem>>) src(%dma_wait3A_843 : memref<4096x8x768xf32, #tpu.memory_space<hbm>>) dst(%dma_wait3A_836 : memref<8x8x768xf32, #tpu.memory_space<vmem>>)
    %dma_wait3A_844 = arith.constant 0 : i32
    %dma_wait3A_845 = arith.constant 0 : i32
    %dma_wait3A_846 = arith.constant 0 : i32
    %dma_wait3A_847 = arith.constant 0 : i32
    %dma_wait3A_848 = tpu.memref_slice %arg6[%dma_wait3A_844, %dma_wait3A_845, %dma_wait3A_846, %dma_wait3A_847] : memref<2x8x8x768xf32, #tpu.memory_space<vmem>> -> memref<1x8x8x768xf32, #tpu.memory_space<vmem>>
    %dma_wait3A_849 = tpu.memref_squeeze %dma_wait3A_848 : memref<1x8x8x768xf32, #tpu.memory_space<vmem>> -> memref<8x8x768xf32, #tpu.memory_space<vmem>>
    %dma_wait3A_850 = arith.constant 0 : i32
    %dma_wait3A_851 = arith.constant 0 : i32
    %dma_wait3A_852 = tpu.memref_slice %arg4[%add3A_812, %dma_wait3A_850, %dma_wait3A_851] : memref<4096x8x768xf32, #tpu.memory_space<hbm>> -> memref<8x8x768xf32, #tpu.memory_space<hbm>>
    %dma_wait3A_853 = arith.constant 0 : i32
    %dma_wait3A_854 = arith.constant 0 : i32
    %dma_wait3A_855 = tpu.memref_slice %arg4[%add3A_812, %dma_wait3A_853, %dma_wait3A_854] : memref<4096x8x768xf32, #tpu.memory_space<hbm>> -> memref<8x8x768xf32, #tpu.memory_space<hbm>>
    %dma_wait3A_856 = arith.constant 0 : i32
    %dma_wait3A_857 = arith.constant 0 : i32
    %dma_wait3A_858 = arith.constant 0 : i32
    %dma_wait3A_859 = tpu.memref_slice %arg6[%dma_wait3A_844, %dma_wait3A_856, %dma_wait3A_857, %dma_wait3A_858] : memref<2x8x8x768xf32, #tpu.memory_space<vmem>> -> memref<1x8x8x768xf32, #tpu.memory_space<vmem>>
    %dma_wait3A_860 = tpu.memref_squeeze %dma_wait3A_859 : memref<1x8x8x768xf32, #tpu.memory_space<vmem>> -> memref<8x8x768xf32, #tpu.memory_space<vmem>>
    tpu.wait_dma2 semaphore(%arg9 : memref<!tpu.dma_semaphore, #tpu.memory_space<semaphore_mem>>) src(%dma_wait3A_860 : memref<8x8x768xf32, #tpu.memory_space<vmem>>) dst(%dma_wait3A_855 : memref<8x8x768xf32, #tpu.memory_space<hbm>>)
    %dma_start3A_861 = arith.constant 14 : i32
    %dma_start3A_862 = arith.constant 0 : i32
    %dma_start3A_863 = arith.constant 0 : i32
    %dma_start3A_864 = arith.constant 0 : i32
    %dma_start3A_865 = arith.constant 0 : i32
    %dma_start3A_866 = tpu.memref_slice %arg6[%dma_start3A_862, %dma_start3A_863, %dma_start3A_864, %dma_start3A_865] : memref<2x8x8x768xf32, #tpu.memory_space<vmem>> -> memref<1x8x8x768xf32, #tpu.memory_space<vmem>>
    %dma_start3A_867 = tpu.memref_squeeze %dma_start3A_866 : memref<1x8x8x768xf32, #tpu.memory_space<vmem>> -> memref<8x8x768xf32, #tpu.memory_space<vmem>>
    %dma_start3A_868 = arith.constant 0 : i32
    %dma_start3A_869 = tpu.memref_slice %arg5[%dma_start3A_861, %dma_start3A_868] : memref<16x8xi32, #tpu.memory_space<vmem>> -> memref<1x8xi32, #tpu.memory_space<vmem>>
    %dma_start3A_870 = tpu.memref_squeeze %dma_start3A_869 : memref<1x8xi32, #tpu.memory_space<vmem>> -> memref<8xi32, #tpu.memory_space<vmem>>
    %dma_start3A_871 = arith.constant 0 : i32
    %dma_start3A_872 = arith.constant 0 : i32
    %dma_start3A_873 = arith.constant 0 : i32
    %dma_start3A_874 = tpu.memref_slice %arg2[%dma_start3A_871, %dma_start3A_872, %dma_start3A_873] : memref<4096x8x768xf32, #tpu.memory_space<hbm>> -> memref<4096x8x768xf32, #tpu.memory_space<hbm>>
    tpu.enqueue_indirect_dma source(%dma_start3A_874 : memref<4096x8x768xf32, #tpu.memory_space<hbm>>) target(%dma_start3A_867 : memref<8x8x768xf32, #tpu.memory_space<vmem>>) offsets(%dma_start3A_870 : memref<8xi32, #tpu.memory_space<vmem>>) semaphore(%arg7 : memref<!tpu.dma_semaphore, #tpu.memory_space<semaphore_mem>>)
    %add3A_875 = arith.constant 104 : i32
    %add3A_876 = arith.addi %mul3A_2, %add3A_875 : i32
    %dma_start3A_877 = arith.constant 1 : i32
    %dma_start3A_878 = arith.constant 0 : i32
    %dma_start3A_879 = arith.constant 0 : i32
    %dma_start3A_880 = arith.constant 0 : i32
    %dma_start3A_881 = tpu.memref_slice %arg6[%dma_start3A_877, %dma_start3A_878, %dma_start3A_879, %dma_start3A_880] : memref<2x8x8x768xf32, #tpu.memory_space<vmem>> -> memref<1x8x8x768xf32, #tpu.memory_space<vmem>>
    %dma_start3A_882 = tpu.memref_squeeze %dma_start3A_881 : memref<1x8x8x768xf32, #tpu.memory_space<vmem>> -> memref<8x8x768xf32, #tpu.memory_space<vmem>>
    %dma_start3A_883 = arith.constant 0 : i32
    %dma_start3A_884 = arith.constant 0 : i32
    %dma_start3A_885 = tpu.memref_slice %arg4[%add3A_876, %dma_start3A_883, %dma_start3A_884] : memref<4096x8x768xf32, #tpu.memory_space<hbm>> -> memref<8x8x768xf32, #tpu.memory_space<hbm>>
    %dma_start3A_886 = arith.constant 0 : i32
    %dma_start3A_887 = arith.constant 0 : i32
    %dma_start3A_888 = tpu.memref_slice %arg4[%add3A_876, %dma_start3A_886, %dma_start3A_887] : memref<4096x8x768xf32, #tpu.memory_space<hbm>> -> memref<8x8x768xf32, #tpu.memory_space<hbm>>
    %dma_start3A_889 = arith.constant 0 : i32
    %dma_start3A_890 = arith.constant 0 : i32
    %dma_start3A_891 = arith.constant 0 : i32
    %dma_start3A_892 = tpu.memref_slice %arg6[%dma_start3A_877, %dma_start3A_889, %dma_start3A_890, %dma_start3A_891] : memref<2x8x8x768xf32, #tpu.memory_space<vmem>> -> memref<1x8x8x768xf32, #tpu.memory_space<vmem>>
    %dma_start3A_893 = tpu.memref_squeeze %dma_start3A_892 : memref<1x8x8x768xf32, #tpu.memory_space<vmem>> -> memref<8x8x768xf32, #tpu.memory_space<vmem>>
    tpu.enqueue_dma source(%dma_start3A_893 : memref<8x8x768xf32, #tpu.memory_space<vmem>>) target(%dma_start3A_888 : memref<8x8x768xf32, #tpu.memory_space<hbm>>) target_semaphore(%arg10 : memref<!tpu.dma_semaphore, #tpu.memory_space<semaphore_mem>>)
    %dma_wait3A_894 = arith.constant 14 : i32
    %dma_wait3A_895 = arith.constant 0 : i32
    %dma_wait3A_896 = arith.constant 0 : i32
    %dma_wait3A_897 = arith.constant 0 : i32
    %dma_wait3A_898 = arith.constant 0 : i32
    %dma_wait3A_899 = tpu.memref_slice %arg6[%dma_wait3A_895, %dma_wait3A_896, %dma_wait3A_897, %dma_wait3A_898] : memref<2x8x8x768xf32, #tpu.memory_space<vmem>> -> memref<1x8x8x768xf32, #tpu.memory_space<vmem>>
    %dma_wait3A_900 = tpu.memref_squeeze %dma_wait3A_899 : memref<1x8x8x768xf32, #tpu.memory_space<vmem>> -> memref<8x8x768xf32, #tpu.memory_space<vmem>>
    %dma_wait3A_901 = arith.constant 0 : i32
    %dma_wait3A_902 = tpu.memref_slice %arg5[%dma_wait3A_894, %dma_wait3A_901] : memref<16x8xi32, #tpu.memory_space<vmem>> -> memref<1x8xi32, #tpu.memory_space<vmem>>
    %dma_wait3A_903 = tpu.memref_squeeze %dma_wait3A_902 : memref<1x8xi32, #tpu.memory_space<vmem>> -> memref<8xi32, #tpu.memory_space<vmem>>
    %dma_wait3A_904 = arith.constant 0 : i32
    %dma_wait3A_905 = arith.constant 0 : i32
    %dma_wait3A_906 = arith.constant 0 : i32
    %dma_wait3A_907 = tpu.memref_slice %arg2[%dma_wait3A_904, %dma_wait3A_905, %dma_wait3A_906] : memref<4096x8x768xf32, #tpu.memory_space<hbm>> -> memref<4096x8x768xf32, #tpu.memory_space<hbm>>
    tpu.wait_indirect_dma semaphore(%arg7 : memref<!tpu.dma_semaphore, #tpu.memory_space<semaphore_mem>>) src(%dma_wait3A_907 : memref<4096x8x768xf32, #tpu.memory_space<hbm>>) dst(%dma_wait3A_900 : memref<8x8x768xf32, #tpu.memory_space<vmem>>)
    %dma_wait3A_908 = arith.constant 1 : i32
    %dma_wait3A_909 = arith.constant 0 : i32
    %dma_wait3A_910 = arith.constant 0 : i32
    %dma_wait3A_911 = arith.constant 0 : i32
    %dma_wait3A_912 = tpu.memref_slice %arg6[%dma_wait3A_908, %dma_wait3A_909, %dma_wait3A_910, %dma_wait3A_911] : memref<2x8x8x768xf32, #tpu.memory_space<vmem>> -> memref<1x8x8x768xf32, #tpu.memory_space<vmem>>
    %dma_wait3A_913 = tpu.memref_squeeze %dma_wait3A_912 : memref<1x8x8x768xf32, #tpu.memory_space<vmem>> -> memref<8x8x768xf32, #tpu.memory_space<vmem>>
    %dma_wait3A_914 = arith.constant 0 : i32
    %dma_wait3A_915 = arith.constant 0 : i32
    %dma_wait3A_916 = tpu.memref_slice %arg4[%add3A_876, %dma_wait3A_914, %dma_wait3A_915] : memref<4096x8x768xf32, #tpu.memory_space<hbm>> -> memref<8x8x768xf32, #tpu.memory_space<hbm>>
    %dma_wait3A_917 = arith.constant 0 : i32
    %dma_wait3A_918 = arith.constant 0 : i32
    %dma_wait3A_919 = tpu.memref_slice %arg4[%add3A_876, %dma_wait3A_917, %dma_wait3A_918] : memref<4096x8x768xf32, #tpu.memory_space<hbm>> -> memref<8x8x768xf32, #tpu.memory_space<hbm>>
    %dma_wait3A_920 = arith.constant 0 : i32
    %dma_wait3A_921 = arith.constant 0 : i32
    %dma_wait3A_922 = arith.constant 0 : i32
    %dma_wait3A_923 = tpu.memref_slice %arg6[%dma_wait3A_908, %dma_wait3A_920, %dma_wait3A_921, %dma_wait3A_922] : memref<2x8x8x768xf32, #tpu.memory_space<vmem>> -> memref<1x8x8x768xf32, #tpu.memory_space<vmem>>
    %dma_wait3A_924 = tpu.memref_squeeze %dma_wait3A_923 : memref<1x8x8x768xf32, #tpu.memory_space<vmem>> -> memref<8x8x768xf32, #tpu.memory_space<vmem>>
    tpu.wait_dma2 semaphore(%arg10 : memref<!tpu.dma_semaphore, #tpu.memory_space<semaphore_mem>>) src(%dma_wait3A_924 : memref<8x8x768xf32, #tpu.memory_space<vmem>>) dst(%dma_wait3A_919 : memref<8x8x768xf32, #tpu.memory_space<hbm>>)
    %dma_start3A_925 = arith.constant 15 : i32
    %dma_start3A_926 = arith.constant 1 : i32
    %dma_start3A_927 = arith.constant 0 : i32
    %dma_start3A_928 = arith.constant 0 : i32
    %dma_start3A_929 = arith.constant 0 : i32
    %dma_start3A_930 = tpu.memref_slice %arg6[%dma_start3A_926, %dma_start3A_927, %dma_start3A_928, %dma_start3A_929] : memref<2x8x8x768xf32, #tpu.memory_space<vmem>> -> memref<1x8x8x768xf32, #tpu.memory_space<vmem>>
    %dma_start3A_931 = tpu.memref_squeeze %dma_start3A_930 : memref<1x8x8x768xf32, #tpu.memory_space<vmem>> -> memref<8x8x768xf32, #tpu.memory_space<vmem>>
    %dma_start3A_932 = arith.constant 0 : i32
    %dma_start3A_933 = tpu.memref_slice %arg5[%dma_start3A_925, %dma_start3A_932] : memref<16x8xi32, #tpu.memory_space<vmem>> -> memref<1x8xi32, #tpu.memory_space<vmem>>
    %dma_start3A_934 = tpu.memref_squeeze %dma_start3A_933 : memref<1x8xi32, #tpu.memory_space<vmem>> -> memref<8xi32, #tpu.memory_space<vmem>>
    %dma_start3A_935 = arith.constant 0 : i32
    %dma_start3A_936 = arith.constant 0 : i32
    %dma_start3A_937 = arith.constant 0 : i32
    %dma_start3A_938 = tpu.memref_slice %arg2[%dma_start3A_935, %dma_start3A_936, %dma_start3A_937] : memref<4096x8x768xf32, #tpu.memory_space<hbm>> -> memref<4096x8x768xf32, #tpu.memory_space<hbm>>
    tpu.enqueue_indirect_dma source(%dma_start3A_938 : memref<4096x8x768xf32, #tpu.memory_space<hbm>>) target(%dma_start3A_931 : memref<8x8x768xf32, #tpu.memory_space<vmem>>) offsets(%dma_start3A_934 : memref<8xi32, #tpu.memory_space<vmem>>) semaphore(%arg8 : memref<!tpu.dma_semaphore, #tpu.memory_space<semaphore_mem>>)
    %add3A_939 = arith.constant 112 : i32
    %add3A_940 = arith.addi %mul3A_2, %add3A_939 : i32
    %dma_start3A_941 = arith.constant 0 : i32
    %dma_start3A_942 = arith.constant 0 : i32
    %dma_start3A_943 = arith.constant 0 : i32
    %dma_start3A_944 = arith.constant 0 : i32
    %dma_start3A_945 = tpu.memref_slice %arg6[%dma_start3A_941, %dma_start3A_942, %dma_start3A_943, %dma_start3A_944] : memref<2x8x8x768xf32, #tpu.memory_space<vmem>> -> memref<1x8x8x768xf32, #tpu.memory_space<vmem>>
    %dma_start3A_946 = tpu.memref_squeeze %dma_start3A_945 : memref<1x8x8x768xf32, #tpu.memory_space<vmem>> -> memref<8x8x768xf32, #tpu.memory_space<vmem>>
    %dma_start3A_947 = arith.constant 0 : i32
    %dma_start3A_948 = arith.constant 0 : i32
    %dma_start3A_949 = tpu.memref_slice %arg4[%add3A_940, %dma_start3A_947, %dma_start3A_948] : memref<4096x8x768xf32, #tpu.memory_space<hbm>> -> memref<8x8x768xf32, #tpu.memory_space<hbm>>
    %dma_start3A_950 = arith.constant 0 : i32
    %dma_start3A_951 = arith.constant 0 : i32
    %dma_start3A_952 = tpu.memref_slice %arg4[%add3A_940, %dma_start3A_950, %dma_start3A_951] : memref<4096x8x768xf32, #tpu.memory_space<hbm>> -> memref<8x8x768xf32, #tpu.memory_space<hbm>>
    %dma_start3A_953 = arith.constant 0 : i32
    %dma_start3A_954 = arith.constant 0 : i32
    %dma_start3A_955 = arith.constant 0 : i32
    %dma_start3A_956 = tpu.memref_slice %arg6[%dma_start3A_941, %dma_start3A_953, %dma_start3A_954, %dma_start3A_955] : memref<2x8x8x768xf32, #tpu.memory_space<vmem>> -> memref<1x8x8x768xf32, #tpu.memory_space<vmem>>
    %dma_start3A_957 = tpu.memref_squeeze %dma_start3A_956 : memref<1x8x8x768xf32, #tpu.memory_space<vmem>> -> memref<8x8x768xf32, #tpu.memory_space<vmem>>
    tpu.enqueue_dma source(%dma_start3A_957 : memref<8x8x768xf32, #tpu.memory_space<vmem>>) target(%dma_start3A_952 : memref<8x8x768xf32, #tpu.memory_space<hbm>>) target_semaphore(%arg9 : memref<!tpu.dma_semaphore, #tpu.memory_space<semaphore_mem>>)
    %dma_wait3A_958 = arith.constant 15 : i32
    %dma_wait3A_959 = arith.constant 1 : i32
    %dma_wait3A_960 = arith.constant 0 : i32
    %dma_wait3A_961 = arith.constant 0 : i32
    %dma_wait3A_962 = arith.constant 0 : i32
    %dma_wait3A_963 = tpu.memref_slice %arg6[%dma_wait3A_959, %dma_wait3A_960, %dma_wait3A_961, %dma_wait3A_962] : memref<2x8x8x768xf32, #tpu.memory_space<vmem>> -> memref<1x8x8x768xf32, #tpu.memory_space<vmem>>
    %dma_wait3A_964 = tpu.memref_squeeze %dma_wait3A_963 : memref<1x8x8x768xf32, #tpu.memory_space<vmem>> -> memref<8x8x768xf32, #tpu.memory_space<vmem>>
    %dma_wait3A_965 = arith.constant 0 : i32
    %dma_wait3A_966 = tpu.memref_slice %arg5[%dma_wait3A_958, %dma_wait3A_965] : memref<16x8xi32, #tpu.memory_space<vmem>> -> memref<1x8xi32, #tpu.memory_space<vmem>>
    %dma_wait3A_967 = tpu.memref_squeeze %dma_wait3A_966 : memref<1x8xi32, #tpu.memory_space<vmem>> -> memref<8xi32, #tpu.memory_space<vmem>>
    %dma_wait3A_968 = arith.constant 0 : i32
    %dma_wait3A_969 = arith.constant 0 : i32
    %dma_wait3A_970 = arith.constant 0 : i32
    %dma_wait3A_971 = tpu.memref_slice %arg2[%dma_wait3A_968, %dma_wait3A_969, %dma_wait3A_970] : memref<4096x8x768xf32, #tpu.memory_space<hbm>> -> memref<4096x8x768xf32, #tpu.memory_space<hbm>>
    tpu.wait_indirect_dma semaphore(%arg8 : memref<!tpu.dma_semaphore, #tpu.memory_space<semaphore_mem>>) src(%dma_wait3A_971 : memref<4096x8x768xf32, #tpu.memory_space<hbm>>) dst(%dma_wait3A_964 : memref<8x8x768xf32, #tpu.memory_space<vmem>>)
    %add3A_972 = arith.constant 120 : i32
    %add3A_973 = arith.addi %mul3A_2, %add3A_972 : i32
    %dma_start3A_974 = arith.constant 1 : i32
    %dma_start3A_975 = arith.constant 0 : i32
    %dma_start3A_976 = arith.constant 0 : i32
    %dma_start3A_977 = arith.constant 0 : i32
    %dma_start3A_978 = tpu.memref_slice %arg6[%dma_start3A_974, %dma_start3A_975, %dma_start3A_976, %dma_start3A_977] : memref<2x8x8x768xf32, #tpu.memory_space<vmem>> -> memref<1x8x8x768xf32, #tpu.memory_space<vmem>>
    %dma_start3A_979 = tpu.memref_squeeze %dma_start3A_978 : memref<1x8x8x768xf32, #tpu.memory_space<vmem>> -> memref<8x8x768xf32, #tpu.memory_space<vmem>>
    %dma_start3A_980 = arith.constant 0 : i32
    %dma_start3A_981 = arith.constant 0 : i32
    %dma_start3A_982 = tpu.memref_slice %arg4[%add3A_973, %dma_start3A_980, %dma_start3A_981] : memref<4096x8x768xf32, #tpu.memory_space<hbm>> -> memref<8x8x768xf32, #tpu.memory_space<hbm>>
    %dma_start3A_983 = arith.constant 0 : i32
    %dma_start3A_984 = arith.constant 0 : i32
    %dma_start3A_985 = tpu.memref_slice %arg4[%add3A_973, %dma_start3A_983, %dma_start3A_984] : memref<4096x8x768xf32, #tpu.memory_space<hbm>> -> memref<8x8x768xf32, #tpu.memory_space<hbm>>
    %dma_start3A_986 = arith.constant 0 : i32
    %dma_start3A_987 = arith.constant 0 : i32
    %dma_start3A_988 = arith.constant 0 : i32
    %dma_start3A_989 = tpu.memref_slice %arg6[%dma_start3A_974, %dma_start3A_986, %dma_start3A_987, %dma_start3A_988] : memref<2x8x8x768xf32, #tpu.memory_space<vmem>> -> memref<1x8x8x768xf32, #tpu.memory_space<vmem>>
    %dma_start3A_990 = tpu.memref_squeeze %dma_start3A_989 : memref<1x8x8x768xf32, #tpu.memory_space<vmem>> -> memref<8x8x768xf32, #tpu.memory_space<vmem>>
    tpu.enqueue_dma source(%dma_start3A_990 : memref<8x8x768xf32, #tpu.memory_space<vmem>>) target(%dma_start3A_985 : memref<8x8x768xf32, #tpu.memory_space<hbm>>) target_semaphore(%arg10 : memref<!tpu.dma_semaphore, #tpu.memory_space<semaphore_mem>>)
    %dma_wait3A_991 = arith.constant 0 : i32
    %dma_wait3A_992 = arith.constant 0 : i32
    %dma_wait3A_993 = arith.constant 0 : i32
    %dma_wait3A_994 = arith.constant 0 : i32
    %dma_wait3A_995 = tpu.memref_slice %arg6[%dma_wait3A_991, %dma_wait3A_992, %dma_wait3A_993, %dma_wait3A_994] : memref<2x8x8x768xf32, #tpu.memory_space<vmem>> -> memref<1x8x8x768xf32, #tpu.memory_space<vmem>>
    %dma_wait3A_996 = tpu.memref_squeeze %dma_wait3A_995 : memref<1x8x8x768xf32, #tpu.memory_space<vmem>> -> memref<8x8x768xf32, #tpu.memory_space<vmem>>
    %dma_wait3A_997 = arith.constant 0 : i32
    %dma_wait3A_998 = arith.constant 0 : i32
    %dma_wait3A_999 = tpu.memref_slice %arg4[%add3A_940, %dma_wait3A_997, %dma_wait3A_998] : memref<4096x8x768xf32, #tpu.memory_space<hbm>> -> memref<8x8x768xf32, #tpu.memory_space<hbm>>
    %dma_wait3A_1000 = arith.constant 0 : i32
    %dma_wait3A_1001 = arith.constant 0 : i32
    %dma_wait3A_1002 = tpu.memref_slice %arg4[%add3A_940, %dma_wait3A_1000, %dma_wait3A_1001] : memref<4096x8x768xf32, #tpu.memory_space<hbm>> -> memref<8x8x768xf32, #tpu.memory_space<hbm>>
    %dma_wait3A_1003 = arith.constant 0 : i32
    %dma_wait3A_1004 = arith.constant 0 : i32
    %dma_wait3A_1005 = arith.constant 0 : i32
    %dma_wait3A_1006 = tpu.memref_slice %arg6[%dma_wait3A_991, %dma_wait3A_1003, %dma_wait3A_1004, %dma_wait3A_1005] : memref<2x8x8x768xf32, #tpu.memory_space<vmem>> -> memref<1x8x8x768xf32, #tpu.memory_space<vmem>>
    %dma_wait3A_1007 = tpu.memref_squeeze %dma_wait3A_1006 : memref<1x8x8x768xf32, #tpu.memory_space<vmem>> -> memref<8x8x768xf32, #tpu.memory_space<vmem>>
    tpu.wait_dma2 semaphore(%arg9 : memref<!tpu.dma_semaphore, #tpu.memory_space<semaphore_mem>>) src(%dma_wait3A_1007 : memref<8x8x768xf32, #tpu.memory_space<vmem>>) dst(%dma_wait3A_1002 : memref<8x8x768xf32, #tpu.memory_space<hbm>>)
    %dma_wait3A_1008 = arith.constant 1 : i32
    %dma_wait3A_1009 = arith.constant 0 : i32
    %dma_wait3A_1010 = arith.constant 0 : i32
    %dma_wait3A_1011 = arith.constant 0 : i32
    %dma_wait3A_1012 = tpu.memref_slice %arg6[%dma_wait3A_1008, %dma_wait3A_1009, %dma_wait3A_1010, %dma_wait3A_1011] : memref<2x8x8x768xf32, #tpu.memory_space<vmem>> -> memref<1x8x8x768xf32, #tpu.memory_space<vmem>>
    %dma_wait3A_1013 = tpu.memref_squeeze %dma_wait3A_1012 : memref<1x8x8x768xf32, #tpu.memory_space<vmem>> -> memref<8x8x768xf32, #tpu.memory_space<vmem>>
    %dma_wait3A_1014 = arith.constant 0 : i32
    %dma_wait3A_1015 = arith.constant 0 : i32
    %dma_wait3A_1016 = tpu.memref_slice %arg4[%add3A_973, %dma_wait3A_1014, %dma_wait3A_1015] : memref<4096x8x768xf32, #tpu.memory_space<hbm>> -> memref<8x8x768xf32, #tpu.memory_space<hbm>>
    %dma_wait3A_1017 = arith.constant 0 : i32
    %dma_wait3A_1018 = arith.constant 0 : i32
    %dma_wait3A_1019 = tpu.memref_slice %arg4[%add3A_973, %dma_wait3A_1017, %dma_wait3A_1018] : memref<4096x8x768xf32, #tpu.memory_space<hbm>> -> memref<8x8x768xf32, #tpu.memory_space<hbm>>
    %dma_wait3A_1020 = arith.constant 0 : i32
    %dma_wait3A_1021 = arith.constant 0 : i32
    %dma_wait3A_1022 = arith.constant 0 : i32
    %dma_wait3A_1023 = tpu.memref_slice %arg6[%dma_wait3A_1008, %dma_wait3A_1020, %dma_wait3A_1021, %dma_wait3A_1022] : memref<2x8x8x768xf32, #tpu.memory_space<vmem>> -> memref<1x8x8x768xf32, #tpu.memory_space<vmem>>
    %dma_wait3A_1024 = tpu.memref_squeeze %dma_wait3A_1023 : memref<1x8x8x768xf32, #tpu.memory_space<vmem>> -> memref<8x8x768xf32, #tpu.memory_space<vmem>>
    tpu.wait_dma2 semaphore(%arg10 : memref<!tpu.dma_semaphore, #tpu.memory_space<semaphore_mem>>) src(%dma_wait3A_1024 : memref<8x8x768xf32, #tpu.memory_space<vmem>>) dst(%dma_wait3A_1019 : memref<8x8x768xf32, #tpu.memory_space<hbm>>)
    return
  }
}

module attributes {stable_mosaic.version = 14 : i64} {
  func.func @body(%arg0: i32, %arg1: memref<512x768xf32, #tpu.memory_space<vmem>>, %arg2: memref<4096x768xf32, #tpu.memory_space<vmem>>, %arg3: memref<512x128xf32, #tpu.memory_space<vmem>>, %arg4: memref<512x128xi32, #tpu.memory_space<vmem>>, %arg5: memref<1x1xf32, #tpu.memory_space<smem>>) attributes {dimension_semantics = [#tpu.dimension_semantics<arbitrary>], iteration_bounds = array<i64: 2>, scalar_prefetch = 0 : i64, scratch_operands = 0 : i64, tpu.core_type = #tpu.core_type<tc>, window_params = [{transform_indices = @transform_0, window_bounds = array<i64: 512, 768>}, {pipeline_mode = #tpu.pipeline_mode<synchronous>, transform_indices = @transform_1, window_bounds = array<i64: 4096, 768>}, {transform_indices = @transform_2, window_bounds = array<i64: 512, 128>}, {transform_indices = @transform_3, window_bounds = array<i64: 512, 128>}, {transform_indices = @transform_4, window_bounds = array<i64: 1, 1>}]} {
    %get3A = arith.constant 0 : index
    %get3A_0 = arith.constant 0 : index
    %get3A_1 = vector.load %arg1[%get3A, %get3A_0] : memref<512x768xf32, #tpu.memory_space<vmem>>, vector<512x768xf32>
    %get3A_2 = arith.constant 0 : index
    %get3A_3 = arith.constant 0 : index
    %get3A_4 = vector.load %arg2[%get3A_2, %get3A_3] : memref<4096x768xf32, #tpu.memory_space<vmem>>, vector<4096x768xf32>
    %dot_general3A = arith.constant dense<0.000000e+00> : vector<512x4096xf32>
    %dot_general3A_5 = tpu.matmul %get3A_1, %get3A_4, %dot_general3A {dimension_numbers = #tpu.dot_dimension_numbers<[1], [1], [0], [0], [0, 0, 1, 0], [], []>, transpose_lhs_hint = false} : vector<512x768xf32>, vector<4096x768xf32>, vector<512x4096xf32> -> vector<512x4096xf32>
    %broadcast_in_dim3A = arith.constant 0.000000e+00 : f32
    %broadcast_in_dim3A_6 = vector.broadcast %broadcast_in_dim3A : f32 to vector<512x128xf32>
    %swap3A = arith.constant 0 : index
    %swap3A_7 = arith.constant 0 : index
    %swap3A_8 = vector.load %arg3[%swap3A, %swap3A_7] : memref<512x128xf32, #tpu.memory_space<vmem>>, vector<512x128xf32>
    tpu.vector_store %arg3[%swap3A, %swap3A_7], %broadcast_in_dim3A_6 {strides = array<i32>} : memref<512x128xf32, #tpu.memory_space<vmem>>, vector<512x128xf32>,
    %broadcast_in_dim3A_9 = arith.constant 0 : i32
    %broadcast_in_dim3A_10 = vector.broadcast %broadcast_in_dim3A_9 : i32 to vector<512x128xi32>
    %swap3A_11 = arith.constant 0 : index
    %swap3A_12 = arith.constant 0 : index
    %swap3A_13 = vector.load %arg4[%swap3A_11, %swap3A_12] : memref<512x128xi32, #tpu.memory_space<vmem>>, vector<512x128xi32>
    tpu.vector_store %arg4[%swap3A_11, %swap3A_12], %broadcast_in_dim3A_10 {strides = array<i32>} : memref<512x128xi32, #tpu.memory_space<vmem>>, vector<512x128xi32>,
    %iota3A = tpu.iota {dimensions = array<i32: 1>} : vector<512x4096xi32>
    %reduce_max3A = arith.constant dense<0xFF800000> : vector<512xf32>
    %reduce_max3A_14 = vector.multi_reduction <maximumf>, %dot_general3A_5, %reduce_max3A [1] : vector<512x4096xf32> to vector<512xf32>
    %broadcast_in_dim3A_15 = vector.shape_cast %reduce_max3A_14 : vector<512xf32> to vector<512x1xf32>
    %eq3A = vector.broadcast %broadcast_in_dim3A_15 : vector<512x1xf32> to vector<512x4096xf32>
    %eq3A_16 = arith.cmpf oeq, %dot_general3A_5, %eq3A : vector<512x4096xf32>
    %jit3A = arith.constant 1073741824 : i32
    %broadcast_in_dim3A_17 = vector.broadcast %jit3A : i32 to vector<512x4096xi32>
    %select_n3A = arith.select %eq3A_16, %iota3A, %broadcast_in_dim3A_17 : vector<512x4096xi1>, vector<512x4096xi32>
    %reduce_min3A = arith.constant dense<2147483647> : vector<512xi32>
    %reduce_min3A_18 = vector.multi_reduction <minsi>, %select_n3A, %reduce_min3A [1] : vector<512x4096xi32> to vector<512xi32>
    %broadcast_in_dim3A_19 = vector.shape_cast %reduce_min3A_18 : vector<512xi32> to vector<512x1xi32>
    %swap3A_20 = arith.constant 0 : index
    %swap3A_21 = arith.constant 0 : index
    %swap3A_22 = vector.load %arg3[%swap3A_20, %swap3A_21] : memref<512x128xf32, #tpu.memory_space<vmem>>, vector<512x1xf32>
    tpu.vector_store %arg3[%swap3A_20, %swap3A_21], %broadcast_in_dim3A_15 {strides = array<i32>} : memref<512x128xf32, #tpu.memory_space<vmem>>, vector<512x1xf32>,
    %swap3A_23 = arith.constant 0 : index
    %swap3A_24 = arith.constant 0 : index
    %swap3A_25 = vector.load %arg4[%swap3A_23, %swap3A_24] : memref<512x128xi32, #tpu.memory_space<vmem>>, vector<512x1xi32>
    tpu.vector_store %arg4[%swap3A_23, %swap3A_24], %broadcast_in_dim3A_19 {strides = array<i32>} : memref<512x128xi32, #tpu.memory_space<vmem>>, vector<512x1xi32>,
    %reduce_sum3A = vector.shape_cast %broadcast_in_dim3A_15 : vector<512x1xf32> to vector<1x512x1xf32>
    %reduce_sum3A_26 = arith.constant dense<0.000000e+00> : vector<1xf32>
    %reduce_sum3A_27 = vector.multi_reduction <add>, %reduce_sum3A, %reduce_sum3A_26 [1, 2] : vector<1x512x1xf32> to vector<1xf32>
    %reduce_sum3A_28 = vector.shape_cast %reduce_sum3A_27 : vector<1xf32> to vector<1x1x1xf32>
    %reduce_sum3A_29 = vector.extract %reduce_sum3A_28[0, 0, 0] : f32 from vector<1x1x1xf32>
    %add3A = arith.constant 0.000000e+00 : f32
    %add3A_30 = arith.addf %add3A, %reduce_sum3A_29 : f32
    %eq3A_31 = vector.broadcast %broadcast_in_dim3A_19 : vector<512x1xi32> to vector<512x4096xi32>
    %eq3A_32 = arith.cmpi eq, %iota3A, %eq3A_31 : vector<512x4096xi32>
    %jit3A_33 = arith.constant 0xFF800000 : f32
    %broadcast_in_dim3A_34 = vector.broadcast %jit3A_33 : f32 to vector<512x4096xf32>
    %select_n3A_35 = arith.select %eq3A_32, %broadcast_in_dim3A_34, %dot_general3A_5 : vector<512x4096xi1>, vector<512x4096xf32>
    %reduce_max3A_36 = arith.constant dense<0xFF800000> : vector<512xf32>
    %reduce_max3A_37 = vector.multi_reduction <maximumf>, %select_n3A_35, %reduce_max3A_36 [1] : vector<512x4096xf32> to vector<512xf32>
    %broadcast_in_dim3A_38 = vector.shape_cast %reduce_max3A_37 : vector<512xf32> to vector<512x1xf32>
    %eq3A_39 = vector.broadcast %broadcast_in_dim3A_38 : vector<512x1xf32> to vector<512x4096xf32>
    %eq3A_40 = arith.cmpf oeq, %select_n3A_35, %eq3A_39 : vector<512x4096xf32>
    %jit3A_41 = arith.constant 1073741824 : i32
    %broadcast_in_dim3A_42 = vector.broadcast %jit3A_41 : i32 to vector<512x4096xi32>
    %select_n3A_43 = arith.select %eq3A_40, %iota3A, %broadcast_in_dim3A_42 : vector<512x4096xi1>, vector<512x4096xi32>
    %reduce_min3A_44 = arith.constant dense<2147483647> : vector<512xi32>
    %reduce_min3A_45 = vector.multi_reduction <minsi>, %select_n3A_43, %reduce_min3A_44 [1] : vector<512x4096xi32> to vector<512xi32>
    %broadcast_in_dim3A_46 = vector.shape_cast %reduce_min3A_45 : vector<512xi32> to vector<512x1xi32>
    %swap3A_47 = arith.constant 0 : index
    %swap3A_48 = arith.constant 1 : index
    %swap3A_49 = vector.load %arg3[%swap3A_47, %swap3A_48] : memref<512x128xf32, #tpu.memory_space<vmem>>, vector<512x1xf32>
    tpu.vector_store %arg3[%swap3A_47, %swap3A_48], %broadcast_in_dim3A_38 {strides = array<i32>} : memref<512x128xf32, #tpu.memory_space<vmem>>, vector<512x1xf32>,
    %swap3A_50 = arith.constant 0 : index
    %swap3A_51 = arith.constant 1 : index
    %swap3A_52 = vector.load %arg4[%swap3A_50, %swap3A_51] : memref<512x128xi32, #tpu.memory_space<vmem>>, vector<512x1xi32>
    tpu.vector_store %arg4[%swap3A_50, %swap3A_51], %broadcast_in_dim3A_46 {strides = array<i32>} : memref<512x128xi32, #tpu.memory_space<vmem>>, vector<512x1xi32>,
    %reduce_sum3A_53 = vector.shape_cast %broadcast_in_dim3A_38 : vector<512x1xf32> to vector<1x512x1xf32>
    %reduce_sum3A_54 = arith.constant dense<0.000000e+00> : vector<1xf32>
    %reduce_sum3A_55 = vector.multi_reduction <add>, %reduce_sum3A_53, %reduce_sum3A_54 [1, 2] : vector<1x512x1xf32> to vector<1xf32>
    %reduce_sum3A_56 = vector.shape_cast %reduce_sum3A_55 : vector<1xf32> to vector<1x1x1xf32>
    %reduce_sum3A_57 = vector.extract %reduce_sum3A_56[0, 0, 0] : f32 from vector<1x1x1xf32>
    %add3A_58 = arith.addf %add3A_30, %reduce_sum3A_57 : f32
    %eq3A_59 = vector.broadcast %broadcast_in_dim3A_46 : vector<512x1xi32> to vector<512x4096xi32>
    %eq3A_60 = arith.cmpi eq, %iota3A, %eq3A_59 : vector<512x4096xi32>
    %jit3A_61 = arith.constant 0xFF800000 : f32
    %broadcast_in_dim3A_62 = vector.broadcast %jit3A_61 : f32 to vector<512x4096xf32>
    %select_n3A_63 = arith.select %eq3A_60, %broadcast_in_dim3A_62, %select_n3A_35 : vector<512x4096xi1>, vector<512x4096xf32>
    %reduce_max3A_64 = arith.constant dense<0xFF800000> : vector<512xf32>
    %reduce_max3A_65 = vector.multi_reduction <maximumf>, %select_n3A_63, %reduce_max3A_64 [1] : vector<512x4096xf32> to vector<512xf32>
    %broadcast_in_dim3A_66 = vector.shape_cast %reduce_max3A_65 : vector<512xf32> to vector<512x1xf32>
    %eq3A_67 = vector.broadcast %broadcast_in_dim3A_66 : vector<512x1xf32> to vector<512x4096xf32>
    %eq3A_68 = arith.cmpf oeq, %select_n3A_63, %eq3A_67 : vector<512x4096xf32>
    %jit3A_69 = arith.constant 1073741824 : i32
    %broadcast_in_dim3A_70 = vector.broadcast %jit3A_69 : i32 to vector<512x4096xi32>
    %select_n3A_71 = arith.select %eq3A_68, %iota3A, %broadcast_in_dim3A_70 : vector<512x4096xi1>, vector<512x4096xi32>
    %reduce_min3A_72 = arith.constant dense<2147483647> : vector<512xi32>
    %reduce_min3A_73 = vector.multi_reduction <minsi>, %select_n3A_71, %reduce_min3A_72 [1] : vector<512x4096xi32> to vector<512xi32>
    %broadcast_in_dim3A_74 = vector.shape_cast %reduce_min3A_73 : vector<512xi32> to vector<512x1xi32>
    %swap3A_75 = arith.constant 0 : index
    %swap3A_76 = arith.constant 2 : index
    %swap3A_77 = vector.load %arg3[%swap3A_75, %swap3A_76] : memref<512x128xf32, #tpu.memory_space<vmem>>, vector<512x1xf32>
    tpu.vector_store %arg3[%swap3A_75, %swap3A_76], %broadcast_in_dim3A_66 {strides = array<i32>} : memref<512x128xf32, #tpu.memory_space<vmem>>, vector<512x1xf32>,
    %swap3A_78 = arith.constant 0 : index
    %swap3A_79 = arith.constant 2 : index
    %swap3A_80 = vector.load %arg4[%swap3A_78, %swap3A_79] : memref<512x128xi32, #tpu.memory_space<vmem>>, vector<512x1xi32>
    tpu.vector_store %arg4[%swap3A_78, %swap3A_79], %broadcast_in_dim3A_74 {strides = array<i32>} : memref<512x128xi32, #tpu.memory_space<vmem>>, vector<512x1xi32>,
    %reduce_sum3A_81 = vector.shape_cast %broadcast_in_dim3A_66 : vector<512x1xf32> to vector<1x512x1xf32>
    %reduce_sum3A_82 = arith.constant dense<0.000000e+00> : vector<1xf32>
    %reduce_sum3A_83 = vector.multi_reduction <add>, %reduce_sum3A_81, %reduce_sum3A_82 [1, 2] : vector<1x512x1xf32> to vector<1xf32>
    %reduce_sum3A_84 = vector.shape_cast %reduce_sum3A_83 : vector<1xf32> to vector<1x1x1xf32>
    %reduce_sum3A_85 = vector.extract %reduce_sum3A_84[0, 0, 0] : f32 from vector<1x1x1xf32>
    %add3A_86 = arith.addf %add3A_58, %reduce_sum3A_85 : f32
    %eq3A_87 = vector.broadcast %broadcast_in_dim3A_74 : vector<512x1xi32> to vector<512x4096xi32>
    %eq3A_88 = arith.cmpi eq, %iota3A, %eq3A_87 : vector<512x4096xi32>
    %jit3A_89 = arith.constant 0xFF800000 : f32
    %broadcast_in_dim3A_90 = vector.broadcast %jit3A_89 : f32 to vector<512x4096xf32>
    %select_n3A_91 = arith.select %eq3A_88, %broadcast_in_dim3A_90, %select_n3A_63 : vector<512x4096xi1>, vector<512x4096xf32>
    %reduce_max3A_92 = arith.constant dense<0xFF800000> : vector<512xf32>
    %reduce_max3A_93 = vector.multi_reduction <maximumf>, %select_n3A_91, %reduce_max3A_92 [1] : vector<512x4096xf32> to vector<512xf32>
    %broadcast_in_dim3A_94 = vector.shape_cast %reduce_max3A_93 : vector<512xf32> to vector<512x1xf32>
    %eq3A_95 = vector.broadcast %broadcast_in_dim3A_94 : vector<512x1xf32> to vector<512x4096xf32>
    %eq3A_96 = arith.cmpf oeq, %select_n3A_91, %eq3A_95 : vector<512x4096xf32>
    %jit3A_97 = arith.constant 1073741824 : i32
    %broadcast_in_dim3A_98 = vector.broadcast %jit3A_97 : i32 to vector<512x4096xi32>
    %select_n3A_99 = arith.select %eq3A_96, %iota3A, %broadcast_in_dim3A_98 : vector<512x4096xi1>, vector<512x4096xi32>
    %reduce_min3A_100 = arith.constant dense<2147483647> : vector<512xi32>
    %reduce_min3A_101 = vector.multi_reduction <minsi>, %select_n3A_99, %reduce_min3A_100 [1] : vector<512x4096xi32> to vector<512xi32>
    %broadcast_in_dim3A_102 = vector.shape_cast %reduce_min3A_101 : vector<512xi32> to vector<512x1xi32>
    %swap3A_103 = arith.constant 0 : index
    %swap3A_104 = arith.constant 3 : index
    %swap3A_105 = vector.load %arg3[%swap3A_103, %swap3A_104] : memref<512x128xf32, #tpu.memory_space<vmem>>, vector<512x1xf32>
    tpu.vector_store %arg3[%swap3A_103, %swap3A_104], %broadcast_in_dim3A_94 {strides = array<i32>} : memref<512x128xf32, #tpu.memory_space<vmem>>, vector<512x1xf32>,
    %swap3A_106 = arith.constant 0 : index
    %swap3A_107 = arith.constant 3 : index
    %swap3A_108 = vector.load %arg4[%swap3A_106, %swap3A_107] : memref<512x128xi32, #tpu.memory_space<vmem>>, vector<512x1xi32>
    tpu.vector_store %arg4[%swap3A_106, %swap3A_107], %broadcast_in_dim3A_102 {strides = array<i32>} : memref<512x128xi32, #tpu.memory_space<vmem>>, vector<512x1xi32>,
    %reduce_sum3A_109 = vector.shape_cast %broadcast_in_dim3A_94 : vector<512x1xf32> to vector<1x512x1xf32>
    %reduce_sum3A_110 = arith.constant dense<0.000000e+00> : vector<1xf32>
    %reduce_sum3A_111 = vector.multi_reduction <add>, %reduce_sum3A_109, %reduce_sum3A_110 [1, 2] : vector<1x512x1xf32> to vector<1xf32>
    %reduce_sum3A_112 = vector.shape_cast %reduce_sum3A_111 : vector<1xf32> to vector<1x1x1xf32>
    %reduce_sum3A_113 = vector.extract %reduce_sum3A_112[0, 0, 0] : f32 from vector<1x1x1xf32>
    %add3A_114 = arith.addf %add3A_86, %reduce_sum3A_113 : f32
    %eq3A_115 = arith.constant 0 : i32
    %eq3A_116 = arith.cmpi eq, %arg0, %eq3A_115 : i32
    %convert_element_type3A = arith.extui %eq3A_116 : i1 to i32
    %cond3A = arith.constant 0 : i32
    %cond3A_117 = arith.cmpi ne, %convert_element_type3A, %cond3A : i32
    scf.if %cond3A_117 {
      %swap3A_125 = arith.constant 0.000000e+00 : f32
      %swap3A_126 = arith.constant 0 : index
      %swap3A_127 = arith.constant 0 : index
      %swap3A_128 = memref.load %arg5[%swap3A_126, %swap3A_127] : memref<1x1xf32, #tpu.memory_space<smem>>
      memref.store %swap3A_125, %arg5[%swap3A_126, %swap3A_127] : memref<1x1xf32, #tpu.memory_space<smem>>
    } else {
    }
    %get3A_118 = arith.constant 0 : index
    %get3A_119 = arith.constant 0 : index
    %get3A_120 = memref.load %arg5[%get3A_118, %get3A_119] : memref<1x1xf32, #tpu.memory_space<smem>>
    %add3A_121 = arith.addf %get3A_120, %add3A_114 : f32
    %swap3A_122 = arith.constant 0 : index
    %swap3A_123 = arith.constant 0 : index
    %swap3A_124 = memref.load %arg5[%swap3A_122, %swap3A_123] : memref<1x1xf32, #tpu.memory_space<smem>>
    memref.store %add3A_121, %arg5[%swap3A_122, %swap3A_123] : memref<1x1xf32, #tpu.memory_space<smem>>
    return
  }
  func.func @transform_0(%arg0: i32) -> (i32, i32) {
    %c0_i32 = arith.constant 0 : i32
    %c0_i32_0 = arith.constant 0 : i32
    return %arg0, %c0_i32 : i32, i32
  }
  func.func @transform_1(%arg0: i32) -> (i32, i32) {
    %c0_i32 = arith.constant 0 : i32
    %c0_i32_0 = arith.constant 0 : i32
    %c0_i32_1 = arith.constant 0 : i32
    return %c0_i32, %c0_i32_0 : i32, i32
  }
  func.func @transform_2(%arg0: i32) -> (i32, i32) {
    %c0_i32 = arith.constant 0 : i32
    %c0_i32_0 = arith.constant 0 : i32
    return %arg0, %c0_i32 : i32, i32
  }
  func.func @transform_3(%arg0: i32) -> (i32, i32) {
    %c0_i32 = arith.constant 0 : i32
    %c0_i32_0 = arith.constant 0 : i32
    return %arg0, %c0_i32 : i32, i32
  }
  func.func @transform_4(%arg0: i32) -> (i32, i32) {
    %c0_i32 = arith.constant 0 : i32
    %c0_i32_0 = arith.constant 0 : i32
    %c0_i32_1 = arith.constant 0 : i32
    return %c0_i32, %c0_i32_0 : i32, i32
  }
}

</mosaic_0001>

<sc_bundles>
// kernel: kernel.4.cloned.1.call-start
scs
__scs_entry_jumppad:
0x0: {  	(pc) =	sbr.rel $0x88, $3  }
0x1: {  	(tag) =	ssettag $0x0;
	lr =	simm.s32 $0x1  }
0x2: {  	[smem:$0x3F9E] =	sst lr;
	_ =	strace $0xD0000000  }
0x3: {  	_ = 	snop  }
0x4: {  	_ = 	snop  }
0x5: {  	_ = 	snop  }
0x6: {  	_ = 	snop  }
0x7: {  	_ = 	snop  }
__scs_overlays_trampoline_lowered:
0x8: {  	[smem:$0x3FAD] =	sst s0  }
0x9: {  	[smem:$0x3FAE] =	sst s1  }
0xa: {  	[smem:$0x3FAF] =	sst s2  }
0xb: {  	[smem:$0x3FB0] =	sst s3  }
0xc: {  	[smem:$0x3FB1] =	sst s4  }
0xd: {  	[smem:$0x3FB2] =	sst s5  }
0xe: {  	[smem:$0x3FB3] =	sst s6  }
0xf: {  	[smem:$0x3FB4] =	sst s7  }
0x10: {  	[smem:$0x3FB5] =	sst s8  }
0x11: {  	[smem:$0x3FB6] =	sst s9;
	s0 =	simm.s32 @!p0 $0x0  }
0x12: {  	s1 =	sld [smem:$0x3F9C];
	s0 =	simm.s32 @p0 $0x1  }
0x13: {  	[smem:$0x3FB7] =	sst s0;
	s0 =	simm.s32 @!p1 $0x0  }
0x14: {  	s2 =	sld [smem:$0x3F9B];
	s0 =	simm.s32 @p1 $0x1  }
0x15: {  	[smem:$0x3FB8] =	sst s0;
	s0 =	simm.s32 @!p2 $0x0  }
0x16: {  	s3 =	sld [smem:$0x3FDB];
	s0 =	simm.s32 @p2 $0x1  }
0x17: {  	s4 =	simm.s32 $0x1BF5;
	[smem:$0x3FBA] =	sst s0  }
0x18: {  	s0 =	sld [smem:$0x3F9D];
	_ =	swait.ge [sflag:s4], $0x0  }
0x19: {  	s7 =	sld [smem:$0x3F9E]  }
0x1a: {  	s8 =	sadd.s32 $0xFFFFE003, lr  }
0x1b: {  	s9 =	sadd.s32 $0xFFFFFEF7, lr;
	s5 =	simm.s32 $0xFFFFFFFF;
	p2 =	slt.u32 s8, $0xFFFFF086  }
0x1c: {  	p1 =	slt.u32 s9, $0xF7A;
	s5 =	simm.s32 @!p2 $0x0  }
0x1d: {  	s5 =	simm.s32 @p1 $0x1;
	p0 =	seq.s32 s7, s2  }
0x1e: {  	s7 =	smul.u32 @!p0 $0xF7A, s2;
	p2 =	seq.s32 @!p0 s5, $0x0  }
0x1f: {  	s9 =	smul.u32 $0xF7A, s1;
	s8 =	simm.s32 @!p0 $0x1BF5;
	p2 =	por !p2, p0  }
0x20: {  	[sflag:s8] =	ssyncset.s32 @!p0 $0xFFFFF086;
	s6 =	sadd.s32 @!p0 s3, s7;
	s7 =	simm.s32 @!p0 $0x108  }
0x21: {  	s3 =	sadd.s32 s3, s9;
	s6 =	sadd.s32 @!p0 $0x88, s6;
	s7 =	simm.s32 @p2 $0x1082  }
0x22: {  	[simem:s7], [sflag:s8] =	dma.local @!p0 [hbm:s6], $0xF7A  }
0x23: {  	s9 =	sor.u32 $0xD0000000, s2;
	s6 =	simm.s32 $0x108;
	_ =	swait.ge @!p0 [sflag:s8], $0x0  }
0x24: {  	s3 =	sadd.s32 $0x88, s3;
	s6 =	simm.s32 @!p1 $0x1082;
	[sflag:s4] =	ssyncset.s32 $0xFFFFF086  }
0x25: {  	[simem:s6], [sflag:s4] =	dma.local [hbm:s3], $0xF7A  }
0x26: {  	[smem:$0x3F9E] =	sst s1;
	(tag) =	ssettag s2;
	_ =	strace s9  }
0x27: {  	s1 =	sld [smem:$0x3FAE]  }
0x28: {  	s2 =	sld [smem:$0x3FAF]  }
0x29: {  	s4 =	sld [smem:$0x3FB1]  }
0x2a: {  	p0 =	seq.s32 s5, $0x0;
	s5 =	sld [smem:$0x3FB2]  }
0x2b: {  	s6 =	sld [smem:$0x3FB3]  }
0x2c: {  	s7 =	sld [smem:$0x3FB4]  }
0x2d: {  	s3 =	simm.s32 $0x108;
	s8 =	sld [smem:$0x3FB5]  }
0x2e: {  	s3 =	simm.s32 @!p0 $0x1082;
	s9 =	sld [smem:$0x3FB6]  }
0x2f: {  	lr =	sadd.s32 s0, s3;
	s0 =	sld [smem:$0x3FAD]  }
0x30: {  	s3 =	sld [smem:$0x3FB0]  }
0x31: {  	[smem:$0x3FB9] =	sst s10  }
0x32: {  	s10 =	sld [smem:$0x3FB7];
	_ =	sdelay $0x3  }
0x33: {  	p0 =	seq.s32 s10, $0x1;
	s10 =	sld [smem:$0x3FB9];
	_ =	sdelay $0x3  }
0x34: {  	[smem:$0x3FB9] =	sst s10  }
0x35: {  	s10 =	sld [smem:$0x3FB8];
	_ =	sdelay $0x3  }
0x36: {  	p1 =	seq.s32 s10, $0x1;
	s10 =	sld [smem:$0x3FB9];
	_ =	sdelay $0x3  }
0x37: {  	[smem:$0x3FB9] =	sst s10  }
0x38: {  	s10 =	sld [smem:$0x3FBA]  }
0x39: {  	_ = 	snop;
	(pc) =	sbr.ind lr, $3  }
0x3a: {  	_ = 	snop  }
0x3b: {  	_ = 	snop  }
0x3c: {  	p2 =	seq.s32 s10, $0x1;
	s10 =	sld [smem:$0x3FB9]  }
0x3d: {  	_ =	shalt  }
0x3e: {  	_ =	shalt  }
0x3f: {  	_ =	shalt  }
0x40: {  	_ =	shalt  }
0x41: {  	_ =	shalt  }
0x42: {  	_ =	shalt  }
0x43: {  	_ =	shalt  }
0x44: {  	_ =	shalt  }
0x45: {  	_ =	shalt  }
0x46: {  	_ =	shalt  }
0x47: {  	_ =	shalt  }
0x48: {  	_ =	shalt  }
0x49: {  	_ =	shalt  }
0x4a: {  	_ =	shalt  }
0x4b: {  	_ =	shalt  }
0x4c: {  	_ =	shalt  }
0x4d: {  	_ =	shalt  }
0x4e: {  	_ =	shalt  }
0x4f: {  	_ =	shalt  }
0x50: {  	_ =	shalt  }
0x51: {  	_ =	shalt  }
0x52: {  	_ =	shalt  }
0x53: {  	_ =	shalt  }
0x54: {  	_ =	shalt  }
0x55: {  	_ =	shalt  }
0x56: {  	_ =	shalt  }
0x57: {  	_ =	shalt  }
0x58: {  	_ =	shalt  }
0x59: {  	_ =	shalt  }
0x5a: {  	_ =	shalt  }
0x5b: {  	_ =	shalt  }
0x5c: {  	_ =	shalt  }
0x5d: {  	_ =	shalt  }
0x5e: {  	_ =	shalt  }
0x5f: {  	_ =	shalt  }
0x60: {  	_ =	shalt  }
0x61: {  	_ =	shalt  }
0x62: {  	_ =	shalt  }
0x63: {  	_ =	shalt  }
0x64: {  	_ =	shalt  }
0x65: {  	_ =	shalt  }
0x66: {  	_ =	shalt  }
0x67: {  	_ =	shalt  }
0x68: {  	_ =	shalt  }
0x69: {  	_ =	shalt  }
0x6a: {  	_ =	shalt  }
0x6b: {  	_ =	shalt  }
0x6c: {  	_ =	shalt  }
0x6d: {  	_ =	shalt  }
0x6e: {  	_ =	shalt  }
0x6f: {  	_ =	shalt  }
0x70: {  	_ =	shalt  }
0x71: {  	_ =	shalt  }
0x72: {  	_ =	shalt  }
0x73: {  	_ =	shalt  }
0x74: {  	_ =	shalt  }
0x75: {  	_ =	shalt  }
0x76: {  	_ =	shalt  }
0x77: {  	_ =	shalt  }
0x78: {  	_ =	shalt  }
0x79: {  	_ =	shalt  }
0x7a: {  	_ =	shalt  }
0x7b: {  	_ =	shalt  }
0x7c: {  	_ =	shalt  }
0x7d: {  	_ =	shalt  }
0x7e: {  	_ =	shalt  }
0x7f: {  	_ =	shalt  }
0x80: {  	_ =	shalt  }
0x81: {  	_ =	shalt  }
0x82: {  	_ =	shalt  }
0x83: {  	_ =	shalt  }
0x84: {  	_ =	shalt  }
0x85: {  	_ =	shalt  }
0x86: {  	_ =	shalt  }
0x87: {  	_ =	shalt  }
.Lfunc_end0:
.L_simem_size_0:
called_computation_lowered:
.L_overlay_start_0:
0x88: {  	s2 =	sld [smem:$0x3FD9]  }
0x89: {  	s3 =	sld [smem:$0x3FFE];
	_ =	sdelay $0x1  }
0x8a: {  	s1 =	srdreg.scid  }
0x8b: {  	s0 =	sand.u32 $0x1, s1  }
0x8c: {  	s14 =	sshll.u32 s0, $0xA;
	s2 =	sadd.s32 s3, s2  }
0x8d: {  	s2 =	sadd.s32 s2, s14  }
0x8e: {  	[smem:$0x3FC5] =	sst s2  }
0x8f: {  	_ = 	snop  }
0x90: {  	s2 =	sld [smem:$0x3FD0];
	_ =	sdelay $0x2  }
0x91: {  	s4 =	simm.s32 $0xA;
	s5 =	simm.s32 $0x10;
	s15 =	sld [smem:$0x3FC7]  }
0x92: {  	[smem:s5], [sflag:s4] =	dma.local [hbm:s2], $0x1  }
0x93: {  	_ =	swait.eq [sflag:s4], $0x1  }
0x94: {  	[sflag:s4] =	ssyncset.done $0x0  }
0x95: {  	[sflag:s4] =	ssyncadd.s32 $0xFFFFFFFF  }
0x96: {  	s16 =	sld [smem:$0x10];
	(tm) =	ssettm $0x1  }
0x97: {  	s17 =	sld [smem:$0x3FFB];
	_ =	sdelay $0x3  }
0x98: {  	_ =	strace s17  }
0x99: {  	s4 =	sld [smem:$0x3FFC];
	_ =	sdelay $0x3  }
0x9a: {  	_ =	strace s4  }
0x9b: {  	s4 =	sld [smem:$0x3FFD];
	_ =	sdelay $0x3  }
0x9c: {  	_ =	strace s4  }
0x9d: {  	_ =	strace $0x8FFFFFFF  }
0x9e: {  	s18 =	sld [smem:$0x3FDB];
	_ =	sdelay $0x1  }
0x9f: {  	s19 =	simm.s32 $_scs_section_size  }
0xa0: {  	s6 =	simm.s32 $_size__tile_overlayer_lowered;
	s7 =	simm.s32 $_tile_overlayer_lowered  }
0xa1: {  	s22 =	simm.s32 $0x1BFF;
	s21 =	sshll.u32 s7, $0x1;
	s4 =	sadd.s32 s19, s18  }
0xa2: {  	s8 =	simm.s32 $0x0;
	s20 =	sshll.u32 s6, $0x1;
	s6 =	sadd.s32 s21, s4  }
0xa3: {  	[timem:s8], [sflag:s22] =	dma.local [hbm:s6], s20  }
0xa4: {  	_ =	swait.ge [sflag:s22], s20  }
0xa5: {  	s5 =	ssub.s32 $0x0, s20;
	[sflag:s22] =	ssyncset.done $0x0  }
0xa6: {  	[sflag:s22] =	ssyncadd.s32 s5;
	_ =	sdelay $0x1  }
0xa7: {  	s23 =	simm.s32 $0x1B8B  }
0xa8: {  	_ =	swait.ge [sflag:s23], $0x1  }
0xa9: {  	[sflag:s23] =	ssyncset.done $0x0  }
0xaa: {  	s25 =	simm.s32 $0x1B8E;
	s24 =	sld [smem:$0x3FFE];
	[sflag:s23] =	ssyncadd.s32 $0xFFFFFFFF  }
0xab: {  	s26 =	simm.s32 $execute0_lowered;
	[smem:$0x3FD2] =	sst s25  }
0xac: {  	s6 =	sshll.u32 s26, $0x1;
	_ =	strace $0x80000046;
	[dreg:$0x1] =	wrdreg $0xFFFFFFFF  }
0xad: {  	s28 =	simm.s32 $_size_execute0_lowered;
	s4 =	sadd.s32 s4, s6;
	[dreg:$0x0] =	wrdreg $0x0  }
0xae: {  	s6 =	sshll.u32 s28, $0x1;
	[dreg:$0x2] =	wrdreg s4  }
0xaf: {  	[dreg:$0x3] =	wrdreg s6  }
0xb0: {  	[dreg:$0x4] =	wrdreg $0xC0  }
0xb1: {  	_ =	task [dreg:s8], $0x5FFFF  }
0xb2: {  	[dreg:$0x1] =	wrdreg $0xFFFFFFFF  }
0xb3: {  	[dreg:$0x0] =	wrdreg $0x60  }
0xb4: {  	[dreg:$0x2] =	wrdreg s15  }
0xb5: {  	[dreg:$0x3] =	wrdreg s24  }
0xb6: {  	[dreg:$0x4] =	wrdreg s16  }
0xb7: {  	[dreg:$0x5] =	wrdreg $0x9  }
0xb8: {  	_ =	task.clear_ibuf [dreg:s8], $0x6FFFF;
	_ =	strace $0x90000046  }
0xb9: {  	s29 =	simm.s32 $0x9;
	_ =	strace $0x80000048  }
0xba: {  	_ =	swait.ge [sflag:s29], $0x1  }
0xbb: {  	[sflag:s29] =	ssyncadd.s32 $0xFFFFFFFF  }
0xbc: {  	_ =	strace $0x90000048  }
0xbd: {  	_ =	sfence  }
0xbe: {  	s30 =	sld [smem:$0x0];
	_ =	sdelay $0x2  }
0xbf: {  	s31 =	sshll.u32 s1, $0xD;
	s1 =	sshrl.u32 s1, $0x2  }
0xc0: {  	s3 =	sand.u32 $0x4000, s31;
	s1 =	sadd.s32 s1, s30  }
0xc1: {  	s0 =	sor.u32 s3, s0;
	s1 =	sshll.u32 s1, $0x11  }
0xc2: {  	s0 =	sor.u32 s1, s0  }
0xc3: {  	s0 =	sadd.s32 $0x8F2B, s0  }
0xc4: {  	[sflag:s0] =	ssyncadd.remote.s32 $0x1  }
0xc5: {  	_ =	sfence.sel $0xFFFF  }
0xc6: {  	[dreg:$0x0] =	wrdreg $0xFFFFFFFF;
	(pc) =	sbr.abs _section_cstart, $3  }
0xc7: {  	[dreg:$0x1] =	wrdreg $0xFFFFFFFF  }
0xc8: {  	_ =	task.clear_ibuf [dreg:s8], $0x2FFFF;
	_ =	strace $0x9FFFFFFF  }
0xc9: {  	(tm) =	ssettm $0x7FFFFFFF  }
tec
execute0_lowered:
.L_overlay_start_1:
0x0: {  	(tag) =	ssettag $0x1  }
0x1: {  	s1 =	rddreg [dreg:$0x0]  }
0x2: {  	s5 =	rddreg [dreg:$0x1];
	s2 =	srdreg.scid  }
0x3: {  	s0 =	stileid.u32;
	s11 =	rddreg [dreg:$0x2];
	s3 =	simm.s32 $0x0  }
0x4: {  	s22 =	simm.s32 $0x5;
	s23 =	simm.s32 $0x800;
	s24 =	simm.s32 $0x1  }
0x5: {  	s25 =	simm.s32 $0xC800;
	s26 =	simm.s32 $0x2;
	s28 =	simm.s32 $0x3  }
0x6: {  	s4 =	sand.u32 $0x1, s2;
	s6 =	sshll.u32 s0, $0x1;
	s2 =	rddreg [dreg:$0x3]  }
0x7: {  	s29 =	simm.s32 $0x4;
	[smem:$0x7FF] =	sst s3;
	s6 =	sor.u32 s4, s6  }
0x8: {  	s7 =	ssub.s32 $0x2, s4;
	_ =	strace $0x80000047;
	s31 =	smul.u32 $0x18000, s6  }
0x9: {  	s8 =	sshrl.u32 s7, $0x1;
	s9 =	sshll.u32 s6, $0x8;
	s10 =	smul.u32 $0xC0000, s6  }
0xa: {  	s21 =	ssub.s32 s7, s8;
	s5 =	sadd.s32 s5, s9;
	s4 =	sadd.s32 s11, s31  }
0xb: {  	s12 =	sshrl.u32 s10, $0x3;
	s21 =	smax.u32 s21, $0x1;
	s6 =	sadd.s32 $0x1800, s4  }
0xc: {  	s7 =	sadd.s32 $0x3000, s4;
	s8 =	sadd.s32 $0x4800, s4;
	s20 =	sadd.s32 s11, s12  }
0xd: {  	s9 =	sadd.s32 $0x6000, s4;
	s10 =	sadd.s32 $0x7800, s4;
	s11 =	sadd.s32 $0x9000, s20  }
0xe: {  	s12 =	sadd.s32 $0xA800, s20;
	s13 =	sadd.s32 $0xC000, s20;
	s14 =	sadd.s32 $0xD800, s20  }
0xf: {  	s15 =	sadd.s32 $0xF000, s20;
	s16 =	sadd.s32 $0x10800, s20;
	s17 =	sadd.s32 $0x12000, s20  }
0x10: {  	vm0 =	vmmov $0xff;
	v0 =	vlaneseq.u32;
	s18 =	sadd.s32 $0x13800, s20;
	s19 =	sadd.s32 $0x15000, s20;
	s20 =	sadd.s32 $0x16800, s20  }
.LBB2_1:
0x11: {  	[tilespmem:s3], [sflag:$0x5] =	stream.linear.gather [hbm4b:s5+s3], $0x800, $0x38;
	[tilespmem:$0x18800] =	vst v63  }
0x12: {  	_ =	swait.ge [sflag:s22], $0x800  }
0x13: {  	[sflag:s22] =	ssyncset.done $0x0  }
0x14: {  	[sflag:s22] =	ssyncadd.s32 $0xFFFFF800  }
0x15: {  	v1 =	vld.msk [tilespmem:$0x0], $0xff;
	_ =	sdelay $0x4  }
0x16: {  	v1 =	vmul.u32 $0x1800, v1;
	_ =	sdelay $0x1  }
0x17: {  	v1 =	vperm.xlane v1, v0;
	_ =	sdelay $0x5  }
0x18: {  	[tilespmem:s23], [sflag:$0x1] =	stream.indirect_vreg.gather [hbm4b:s1+s3], $0x1800, v1, vm0, $0x38;
	[tilespmem:$0x18800] =	vst v63  }
0x19: {  	_ =	swait.ge [sflag:s24], $0xC000  }
0x1a: {  	[sflag:s24] =	ssyncset.done $0x0  }
0x1b: {  	[sflag:s24] =	ssyncadd.s32 $0xFFFF4000  }
0x1c: {  	v1 =	vld.msk [tilespmem:$0x80], $0xff;
	_ =	sdelay $0x4  }
0x1d: {  	v1 =	vmul.u32 $0x1800, v1;
	_ =	sdelay $0x1  }
0x1e: {  	v1 =	vperm.xlane v1, v0;
	_ =	sdelay $0x5  }
0x1f: {  	[tilespmem:s25], [sflag:$0x2] =	stream.indirect_vreg.gather [hbm4b:s1+s3], $0x1800, v1, vm0, $0x38;
	[tilespmem:$0x18800] =	vst v63  }
0x20: {  	_ = 	snop  }
0x21: {  	[hbm4b:s4+s3] =	stream.linear.scatter [tilespmem:s23], [sflag:$0x3], $0xC000, $0x38;
	[tilespmem:$0x18800] =	vst v63  }
0x22: {  	_ =	swait.ge [sflag:s26], $0xC000  }
0x23: {  	[sflag:s26] =	ssyncset.done $0x0  }
0x24: {  	[sflag:s26] =	ssyncadd.s32 $0xFFFF4000  }
0x25: {  	_ =	swait.ge [sflag:s28], $0xC000  }
0x26: {  	[sflag:s28] =	ssyncset.done $0x0  }
0x27: {  	[sflag:s28] =	ssyncadd.s32 $0xFFFF4000  }
0x28: {  	v1 =	vld.msk [tilespmem:$0x100], $0xff;
	_ =	sdelay $0x4  }
0x29: {  	v1 =	vmul.u32 $0x1800, v1;
	_ =	sdelay $0x1  }
0x2a: {  	v1 =	vperm.xlane v1, v0;
	_ =	sdelay $0x5  }
0x2b: {  	[tilespmem:s23], [sflag:$0x1] =	stream.indirect_vreg.gather [hbm4b:s1+s3], $0x1800, v1, vm0, $0x38;
	[tilespmem:$0x18800] =	vst v63  }
0x2c: {  	_ = 	snop  }
0x2d: {  	[hbm4b:s6+s3] =	stream.linear.scatter [tilespmem:s25], [sflag:$0x4], $0xC000, $0x38;
	[tilespmem:$0x18800] =	vst v63  }
0x2e: {  	_ =	swait.ge [sflag:s24], $0xC000  }
0x2f: {  	[sflag:s24] =	ssyncset.done $0x0  }
0x30: {  	[sflag:s24] =	ssyncadd.s32 $0xFFFF4000  }
0x31: {  	_ =	swait.ge [sflag:s29], $0xC000  }
0x32: {  	[sflag:s29] =	ssyncset.done $0x0  }
0x33: {  	[sflag:s29] =	ssyncadd.s32 $0xFFFF4000  }
0x34: {  	v1 =	vld.msk [tilespmem:$0x180], $0xff;
	_ =	sdelay $0x4  }
0x35: {  	v1 =	vmul.u32 $0x1800, v1;
	_ =	sdelay $0x1  }
0x36: {  	v1 =	vperm.xlane v1, v0;
	_ =	sdelay $0x5  }
0x37: {  	[tilespmem:s25], [sflag:$0x2] =	stream.indirect_vreg.gather [hbm4b:s1+s3], $0x1800, v1, vm0, $0x38;
	[tilespmem:$0x18800] =	vst v63  }
0x38: {  	_ = 	snop  }
0x39: {  	[hbm4b:s7+s3] =	stream.linear.scatter [tilespmem:s23], [sflag:$0x3], $0xC000, $0x38;
	[tilespmem:$0x18800] =	vst v63  }
0x3a: {  	_ =	swait.ge [sflag:s26], $0xC000  }
0x3b: {  	[sflag:s26] =	ssyncset.done $0x0  }
0x3c: {  	[sflag:s26] =	ssyncadd.s32 $0xFFFF4000  }
0x3d: {  	_ =	swait.ge [sflag:s28], $0xC000  }
0x3e: {  	[sflag:s28] =	ssyncset.done $0x0  }
0x3f: {  	[sflag:s28] =	ssyncadd.s32 $0xFFFF4000  }
0x40: {  	v1 =	vld.msk [tilespmem:$0x200], $0xff;
	_ =	sdelay $0x4  }
0x41: {  	v1 =	vmul.u32 $0x1800, v1;
	_ =	sdelay $0x1  }
0x42: {  	v1 =	vperm.xlane v1, v0;
	_ =	sdelay $0x5  }
0x43: {  	[tilespmem:s23], [sflag:$0x1] =	stream.indirect_vreg.gather [hbm4b:s1+s3], $0x1800, v1, vm0, $0x38;
	[tilespmem:$0x18800] =	vst v63  }
0x44: {  	_ = 	snop  }
0x45: {  	[hbm4b:s8+s3] =	stream.linear.scatter [tilespmem:s25], [sflag:$0x4], $0xC000, $0x38;
	[tilespmem:$0x18800] =	vst v63  }
0x46: {  	_ =	swait.ge [sflag:s24], $0xC000  }
0x47: {  	[sflag:s24] =	ssyncset.done $0x0  }
0x48: {  	[sflag:s24] =	ssyncadd.s32 $0xFFFF4000  }
0x49: {  	_ =	swait.ge [sflag:s29], $0xC000  }
0x4a: {  	[sflag:s29] =	ssyncset.done $0x0  }
0x4b: {  	[sflag:s29] =	ssyncadd.s32 $0xFFFF4000  }
0x4c: {  	v1 =	vld.msk [tilespmem:$0x280], $0xff;
	_ =	sdelay $0x4  }
0x4d: {  	v1 =	vmul.u32 $0x1800, v1;
	_ =	sdelay $0x1  }
0x4e: {  	v1 =	vperm.xlane v1, v0;
	_ =	sdelay $0x5  }
0x4f: {  	[tilespmem:s25], [sflag:$0x2] =	stream.indirect_vreg.gather [hbm4b:s1+s3], $0x1800, v1, vm0, $0x38;
	[tilespmem:$0x18800] =	vst v63  }
0x50: {  	_ = 	snop  }
0x51: {  	[hbm4b:s9+s3] =	stream.linear.scatter [tilespmem:s23], [sflag:$0x3], $0xC000, $0x38;
	[tilespmem:$0x18800] =	vst v63  }
0x52: {  	_ =	swait.ge [sflag:s26], $0xC000  }
0x53: {  	[sflag:s26] =	ssyncset.done $0x0  }
0x54: {  	[sflag:s26] =	ssyncadd.s32 $0xFFFF4000  }
0x55: {  	_ =	swait.ge [sflag:s28], $0xC000  }
0x56: {  	[sflag:s28] =	ssyncset.done $0x0  }
0x57: {  	[sflag:s28] =	ssyncadd.s32 $0xFFFF4000  }
0x58: {  	v1 =	vld.msk [tilespmem:$0x300], $0xff;
	_ =	sdelay $0x4  }
0x59: {  	v1 =	vmul.u32 $0x1800, v1;
	_ =	sdelay $0x1  }
0x5a: {  	v1 =	vperm.xlane v1, v0;
	_ =	sdelay $0x5  }
0x5b: {  	[tilespmem:s23], [sflag:$0x1] =	stream.indirect_vreg.gather [hbm4b:s1+s3], $0x1800, v1, vm0, $0x38;
	[tilespmem:$0x18800] =	vst v63  }
0x5c: {  	_ = 	snop  }
0x5d: {  	[hbm4b:s10+s3] =	stream.linear.scatter [tilespmem:s25], [sflag:$0x4], $0xC000, $0x38;
	[tilespmem:$0x18800] =	vst v63  }
0x5e: {  	_ =	swait.ge [sflag:s24], $0xC000  }
0x5f: {  	[sflag:s24] =	ssyncset.done $0x0  }
0x60: {  	[sflag:s24] =	ssyncadd.s32 $0xFFFF4000  }
0x61: {  	_ =	swait.ge [sflag:s29], $0xC000  }
0x62: {  	[sflag:s29] =	ssyncset.done $0x0  }
0x63: {  	[sflag:s29] =	ssyncadd.s32 $0xFFFF4000  }
0x64: {  	v1 =	vld.msk [tilespmem:$0x380], $0xff;
	_ =	sdelay $0x4  }
0x65: {  	v1 =	vmul.u32 $0x1800, v1;
	_ =	sdelay $0x1  }
0x66: {  	v1 =	vperm.xlane v1, v0;
	_ =	sdelay $0x5  }
0x67: {  	[tilespmem:s25], [sflag:$0x2] =	stream.indirect_vreg.gather [hbm4b:s1+s3], $0x1800, v1, vm0, $0x38;
	[tilespmem:$0x18800] =	vst v63  }
0x68: {  	_ = 	snop  }
0x69: {  	[hbm4b:s11+s3] =	stream.linear.scatter [tilespmem:s23], [sflag:$0x3], $0xC000, $0x38;
	[tilespmem:$0x18800] =	vst v63  }
0x6a: {  	_ =	swait.ge [sflag:s26], $0xC000  }
0x6b: {  	[sflag:s26] =	ssyncset.done $0x0  }
0x6c: {  	[sflag:s26] =	ssyncadd.s32 $0xFFFF4000  }
0x6d: {  	_ =	swait.ge [sflag:s28], $0xC000  }
0x6e: {  	[sflag:s28] =	ssyncset.done $0x0  }
0x6f: {  	[sflag:s28] =	ssyncadd.s32 $0xFFFF4000  }
0x70: {  	v1 =	vld.msk [tilespmem:$0x400], $0xff;
	_ =	sdelay $0x4  }
0x71: {  	v1 =	vmul.u32 $0x1800, v1;
	_ =	sdelay $0x1  }
0x72: {  	v1 =	vperm.xlane v1, v0;
	_ =	sdelay $0x5  }
0x73: {  	[tilespmem:s23], [sflag:$0x1] =	stream.indirect_vreg.gather [hbm4b:s1+s3], $0x1800, v1, vm0, $0x38;
	[tilespmem:$0x18800] =	vst v63  }
0x74: {  	_ = 	snop  }
0x75: {  	[hbm4b:s12+s3] =	stream.linear.scatter [tilespmem:s25], [sflag:$0x4], $0xC000, $0x38;
	[tilespmem:$0x18800] =	vst v63  }
0x76: {  	_ =	swait.ge [sflag:s24], $0xC000  }
0x77: {  	[sflag:s24] =	ssyncset.done $0x0  }
0x78: {  	[sflag:s24] =	ssyncadd.s32 $0xFFFF4000  }
0x79: {  	_ =	swait.ge [sflag:s29], $0xC000  }
0x7a: {  	[sflag:s29] =	ssyncset.done $0x0  }
0x7b: {  	[sflag:s29] =	ssyncadd.s32 $0xFFFF4000  }
0x7c: {  	v1 =	vld.msk [tilespmem:$0x480], $0xff;
	_ =	sdelay $0x4  }
0x7d: {  	v1 =	vmul.u32 $0x1800, v1;
	_ =	sdelay $0x1  }
0x7e: {  	v1 =	vperm.xlane v1, v0;
	_ =	sdelay $0x5  }
0x7f: {  	[tilespmem:s25], [sflag:$0x2] =	stream.indirect_vreg.gather [hbm4b:s1+s3], $0x1800, v1, vm0, $0x38;
	[tilespmem:$0x18800] =	vst v63  }
0x80: {  	_ = 	snop  }
0x81: {  	[hbm4b:s13+s3] =	stream.linear.scatter [tilespmem:s23], [sflag:$0x3], $0xC000, $0x38;
	[tilespmem:$0x18800] =	vst v63  }
0x82: {  	_ =	swait.ge [sflag:s26], $0xC000  }
0x83: {  	[sflag:s26] =	ssyncset.done $0x0  }
0x84: {  	[sflag:s26] =	ssyncadd.s32 $0xFFFF4000  }
0x85: {  	_ =	swait.ge [sflag:s28], $0xC000  }
0x86: {  	[sflag:s28] =	ssyncset.done $0x0  }
0x87: {  	[sflag:s28] =	ssyncadd.s32 $0xFFFF4000  }
0x88: {  	v1 =	vld.msk [tilespmem:$0x500], $0xff;
	_ =	sdelay $0x4  }
0x89: {  	v1 =	vmul.u32 $0x1800, v1;
	_ =	sdelay $0x1  }
0x8a: {  	v1 =	vperm.xlane v1, v0;
	_ =	sdelay $0x5  }
0x8b: {  	[tilespmem:s23], [sflag:$0x1] =	stream.indirect_vreg.gather [hbm4b:s1+s3], $0x1800, v1, vm0, $0x38;
	[tilespmem:$0x18800] =	vst v63  }
0x8c: {  	_ = 	snop  }
0x8d: {  	[hbm4b:s14+s3] =	stream.linear.scatter [tilespmem:s25], [sflag:$0x4], $0xC000, $0x38;
	[tilespmem:$0x18800] =	vst v63  }
0x8e: {  	_ =	swait.ge [sflag:s24], $0xC000  }
0x8f: {  	[sflag:s24] =	ssyncset.done $0x0  }
0x90: {  	[sflag:s24] =	ssyncadd.s32 $0xFFFF4000  }
0x91: {  	_ =	swait.ge [sflag:s29], $0xC000  }
0x92: {  	[sflag:s29] =	ssyncset.done $0x0  }
0x93: {  	[sflag:s29] =	ssyncadd.s32 $0xFFFF4000  }
0x94: {  	v1 =	vld.msk [tilespmem:$0x580], $0xff;
	_ =	sdelay $0x4  }
0x95: {  	v1 =	vmul.u32 $0x1800, v1;
	_ =	sdelay $0x1  }
0x96: {  	v1 =	vperm.xlane v1, v0;
	_ =	sdelay $0x5  }
0x97: {  	[tilespmem:s25], [sflag:$0x2] =	stream.indirect_vreg.gather [hbm4b:s1+s3], $0x1800, v1, vm0, $0x38;
	[tilespmem:$0x18800] =	vst v63  }
0x98: {  	_ = 	snop  }
0x99: {  	[hbm4b:s15+s3] =	stream.linear.scatter [tilespmem:s23], [sflag:$0x3], $0xC000, $0x38;
	[tilespmem:$0x18800] =	vst v63  }
0x9a: {  	_ =	swait.ge [sflag:s26], $0xC000  }
0x9b: {  	[sflag:s26] =	ssyncset.done $0x0  }
0x9c: {  	[sflag:s26] =	ssyncadd.s32 $0xFFFF4000  }
0x9d: {  	_ =	swait.ge [sflag:s28], $0xC000  }
0x9e: {  	[sflag:s28] =	ssyncset.done $0x0  }
0x9f: {  	[sflag:s28] =	ssyncadd.s32 $0xFFFF4000  }
0xa0: {  	v1 =	vld.msk [tilespmem:$0x600], $0xff;
	_ =	sdelay $0x4  }
0xa1: {  	v1 =	vmul.u32 $0x1800, v1;
	_ =	sdelay $0x1  }
0xa2: {  	v1 =	vperm.xlane v1, v0;
	_ =	sdelay $0x5  }
0xa3: {  	[tilespmem:s23], [sflag:$0x1] =	stream.indirect_vreg.gather [hbm4b:s1+s3], $0x1800, v1, vm0, $0x38;
	[tilespmem:$0x18800] =	vst v63  }
0xa4: {  	_ = 	snop  }
0xa5: {  	[hbm4b:s16+s3] =	stream.linear.scatter [tilespmem:s25], [sflag:$0x4], $0xC000, $0x38;
	[tilespmem:$0x18800] =	vst v63  }
0xa6: {  	_ =	swait.ge [sflag:s24], $0xC000  }
0xa7: {  	[sflag:s24] =	ssyncset.done $0x0  }
0xa8: {  	[sflag:s24] =	ssyncadd.s32 $0xFFFF4000  }
0xa9: {  	_ =	swait.ge [sflag:s29], $0xC000  }
0xaa: {  	[sflag:s29] =	ssyncset.done $0x0  }
0xab: {  	[sflag:s29] =	ssyncadd.s32 $0xFFFF4000  }
0xac: {  	v1 =	vld.msk [tilespmem:$0x680], $0xff;
	_ =	sdelay $0x4  }
0xad: {  	v1 =	vmul.u32 $0x1800, v1;
	_ =	sdelay $0x1  }
0xae: {  	v1 =	vperm.xlane v1, v0;
	_ =	sdelay $0x5  }
0xaf: {  	[tilespmem:s25], [sflag:$0x2] =	stream.indirect_vreg.gather [hbm4b:s1+s3], $0x1800, v1, vm0, $0x38;
	[tilespmem:$0x18800] =	vst v63  }
0xb0: {  	_ = 	snop  }
0xb1: {  	[hbm4b:s17+s3] =	stream.linear.scatter [tilespmem:s23], [sflag:$0x3], $0xC000, $0x38;
	[tilespmem:$0x18800] =	vst v63  }
0xb2: {  	_ =	swait.ge [sflag:s26], $0xC000  }
0xb3: {  	[sflag:s26] =	ssyncset.done $0x0  }
0xb4: {  	[sflag:s26] =	ssyncadd.s32 $0xFFFF4000  }
0xb5: {  	_ =	swait.ge [sflag:s28], $0xC000  }
0xb6: {  	[sflag:s28] =	ssyncset.done $0x0  }
0xb7: {  	[sflag:s28] =	ssyncadd.s32 $0xFFFF4000  }
0xb8: {  	v1 =	vld.msk [tilespmem:$0x700], $0xff;
	_ =	sdelay $0x4  }
0xb9: {  	v1 =	vmul.u32 $0x1800, v1;
	_ =	sdelay $0x1  }
0xba: {  	v1 =	vperm.xlane v1, v0;
	_ =	sdelay $0x5  }
0xbb: {  	[tilespmem:s23], [sflag:$0x1] =	stream.indirect_vreg.gather [hbm4b:s1+s3], $0x1800, v1, vm0, $0x38;
	[tilespmem:$0x18800] =	vst v63  }
0xbc: {  	_ = 	snop  }
0xbd: {  	[hbm4b:s18+s3] =	stream.linear.scatter [tilespmem:s25], [sflag:$0x4], $0xC000, $0x38;
	[tilespmem:$0x18800] =	vst v63  }
0xbe: {  	_ =	swait.ge [sflag:s24], $0xC000  }
0xbf: {  	[sflag:s24] =	ssyncset.done $0x0  }
0xc0: {  	[sflag:s24] =	ssyncadd.s32 $0xFFFF4000  }
0xc1: {  	_ =	swait.ge [sflag:s29], $0xC000  }
0xc2: {  	[sflag:s29] =	ssyncset.done $0x0  }
0xc3: {  	[sflag:s29] =	ssyncadd.s32 $0xFFFF4000  }
0xc4: {  	v1 =	vld.msk [tilespmem:$0x780], $0xff;
	_ =	sdelay $0x4  }
0xc5: {  	v1 =	vmul.u32 $0x1800, v1;
	_ =	sdelay $0x1  }
0xc6: {  	v1 =	vperm.xlane v1, v0;
	_ =	sdelay $0x5  }
0xc7: {  	[tilespmem:s25], [sflag:$0x2] =	stream.indirect_vreg.gather [hbm4b:s1+s3], $0x1800, v1, vm0, $0x38;
	[tilespmem:$0x18800] =	vst v63  }
0xc8: {  	_ = 	snop  }
0xc9: {  	[hbm4b:s19+s3] =	stream.linear.scatter [tilespmem:s23], [sflag:$0x3], $0xC000, $0x38;
	[tilespmem:$0x18800] =	vst v63  }
0xca: {  	_ =	swait.ge [sflag:s26], $0xC000  }
0xcb: {  	[sflag:s26] =	ssyncset.done $0x0  }
0xcc: {  	[sflag:s26] =	ssyncadd.s32 $0xFFFF4000  }
0xcd: {  	[hbm4b:s20+s3] =	stream.linear.scatter [tilespmem:s25], [sflag:$0x4], $0xC000, $0x38;
	[tilespmem:$0x18800] =	vst v63  }
0xce: {  	p0 =	sne.s32 s21, $0x1;
	_ =	swait.ge [sflag:s28], $0xC000  }
.Ltmp0:
0xcf: {  	[sflag:s28] =	ssyncset.done $0x0;
	(pc) =	sbr.rel @p0 .LBB2_1-.Ltmp0, $4  }
0xd0: {  	[sflag:s28] =	ssyncadd.s32 $0xFFFF4000  }
0xd1: {  	_ =	swait.ge [sflag:s29], $0xC000  }
0xd2: {  	[sflag:s29] =	ssyncset.done $0x0  }
0xd3: {  	s21 =	sadd.s32 $0xFFFFFFFF, s21;
	[sflag:s29] =	ssyncadd.s32 $0xFFFF4000  }
0xd4: {  	_ =	sfence.sel $0x180000  }
0xd5: {  	[bflag:$0x0] =	sbarrier.arrive $0xFFFF  }
0xd6: {  	p0 =	sne.s32 s0, $0x0;
	_ =	strace $0x90000047  }
0xd7: {  	s0 =	sadd.s32 @!p0 $0x100000, s2;
	[bflag:$0x2] =	sbarrier.arrive $0xFFFF  }
0xd8: {  	[sflag:s0] =	ssyncadd.tile.s32 @!p0 $0x1;
	_ =	shalt  }
.Lfunc_end2:
_tile_overlayer_lowered:
.L_overlay_start_2:
0xd9: {  	(tag) =	ssettag $0x2  }
0xda: {  	s0 =	rddreg [dreg:$0x0];
	s2 =	stileid.u32  }
0xdb: {  	s1 =	rddreg [dreg:$0x1];
	p0 =	sne.s32 s2, $0x0  }
0xdc: {  	s3 =	rddreg [dreg:$0x2];
	[bflag:$0x3] =	sbarrier.arrive $0xFFFF;
	s2 =	simm.s32 @!p0 $0x1C05  }
0xdd: {  	[timem:s3], [sflag:s2] =	dma.local @!p0 [hbm:s0], s1  }
0xde: {  	s0 =	simm.s32 @!p0 $0x5  }
0xdf: {  	_ =	swait.ge @!p0 [sflag:s0], s1  }
0xe0: {  	s1 =	ssub.s32 @!p0 $0x0, s1;
	[sflag:s0] =	ssyncset.done @!p0 $0x0  }
0xe1: {  	[sflag:s0] =	ssyncadd.s32 @!p0 s1  }
0xe2: {  	[bflag:$0x3] =	sbarrier.arrive $0xFFFF  }
0xe3: {  	_ =	shalt  }

</sc_bundles>
